<compile_context>
chip_gen: v7x
topology: tpu7x:2x2x1
jax: 0.10.2.dev20260603
libtpu: 0.0.44.dev20260713+nightly
codegen_flags: <defaults>
</compile_context>

<pallas_src>
import functools

import jax
import jax.numpy as jnp
import numpy as np
from jax.experimental import pallas as pl
from jax.experimental.pallas import tpu as pltpu
from jax.experimental.pallas import tpu_sc as plsc

N_BINS = 15
_N = 16384
_C = 1000
_ROWS = 1024

_NC = 2
_NS = 16
_NW = _NC * _NS
_PER_W = _N // _NW
_NVEC = _PER_W // 16

_BOUNDS = [float(b) for b in np.linspace(0.0, 1.0, N_BINS + 1)]


def _tc_body(x_ref, lab_ref, conf_ref, acc_ref):
    pid = pl.program_id(0)
    x = x_ref[...]
    m = jnp.max(x, axis=1, keepdims=True)
    z = jnp.sum(jnp.exp(x - m), axis=1)
    ids = jax.lax.broadcasted_iota(jnp.int32, x.shape, 1)
    first_max = jnp.min(jnp.where(x == m, ids, jnp.int32(2**30)), axis=1)
    conf_ref[pl.ds(pid * _ROWS, _ROWS)] = 1.0 / z
    acc_ref[pl.ds(pid * _ROWS, _ROWS)] = (
        first_max == lab_ref[...]
    ).astype(jnp.float32)


def _conf_acc(logits, labels):
    return pl.pallas_call(
        _tc_body,
        grid=(_N // _ROWS,),
        in_specs=[
            pl.BlockSpec((_ROWS, _C), lambda i: (i, 0)),
            pl.BlockSpec((_ROWS,), lambda i: (i,)),
        ],
        out_specs=[
            pl.BlockSpec(memory_space=pltpu.VMEM),
            pl.BlockSpec(memory_space=pltpu.VMEM),
        ],
        out_shape=[
            jax.ShapeDtypeStruct((_N,), jnp.float32),
            jax.ShapeDtypeStruct((_N,), jnp.float32),
        ],
    )(logits, labels)


def _sc_bin_body(conf_hbm, acc_hbm, out_hbm, conf_v, acc_v, part_v):
    wid = jax.lax.axis_index("s") * _NC + jax.lax.axis_index("c")
    base = wid * _PER_W
    pltpu.sync_copy(conf_hbm.at[pl.ds(base, _PER_W)], conf_v)
    pltpu.sync_copy(acc_hbm.at[pl.ds(base, _PER_W)], acc_v)
    zero = jnp.zeros((16,), jnp.float32)
    for b in range(3 * N_BINS):
        part_v[b, :] = zero

    def body(i, carry):
        cv = conf_v[pl.ds(i * 16, 16)]
        av = acc_v[pl.ds(i * 16, 16)]
        for b in range(N_BINS):
            sel = jnp.where(
                (cv > _BOUNDS[b]) & (cv <= _BOUNDS[b + 1]), 1.0, 0.0
            )
            plsc.addupdate(part_v.at[b], sel)
            plsc.addupdate(part_v.at[N_BINS + b], sel * cv)
            plsc.addupdate(part_v.at[2 * N_BINS + b], sel * av)
        return carry

    jax.lax.fori_loop(0, _NVEC, body, 0)
    pltpu.sync_copy(part_v, out_hbm.at[wid])


def _sc_partials(conf, acc):
    mesh = plsc.VectorSubcoreMesh(core_axis_name="c", subcore_axis_name="s")
    f = functools.partial(
        pl.kernel,
        mesh=mesh,
        out_type=jax.ShapeDtypeStruct((_NW, 3 * N_BINS, 16), jnp.float32),
        scratch_types=[
            pltpu.VMEM((_PER_W,), jnp.float32),
            pltpu.VMEM((_PER_W,), jnp.float32),
            pltpu.VMEM((3 * N_BINS, 16), jnp.float32),
        ],
    )(_sc_bin_body)
    return f(conf, acc)


def kernel(logits, labels):
    conf, acc = _conf_acc(logits, labels.astype(jnp.int32))
    parts = _sc_partials(conf, acc)
    sums = jnp.sum(parts, axis=(0, 2))
    cnt = sums[:N_BINS]
    s_c = sums[N_BINS : 2 * N_BINS]
    s_a = sums[2 * N_BINS :]
    denom = jnp.maximum(cnt, 1.0)
    contrib = jnp.abs(s_c / denom - s_a / denom) * (cnt / _N)
    ece = jnp.sum(jnp.where(cnt > 0, contrib, 0.0))
    return ece.reshape((1,))

# --- scband reference (transcript-rebuilt; emitter-appended) ---
"""Pipeline reference for scband-eceloss-5634997093212 (READ-ONLY COPY).

The authoritative reference and input builder live on the scoring server;
editing this copy changes nothing except your own understanding.
"""

import jax, jax.numpy as jnp
import numpy as np

N_BINS = 15

def setup_inputs(seed: int = 0) -> dict:
    key = jax.random.key(seed)
    k1, k2 = jax.random.split(key)
    logits = jax.random.normal(k1, (16384, 1000), dtype=jnp.float32)
    labels = jax.random.randint(k2, (16384,), 0, 1000, dtype=jnp.int64)
    return {"logits": logits, "labels": labels}

def reference(logits, labels):
    # ECELoss.forward with softmax=True
    softmaxes = jax.nn.softmax(logits, axis=1)
    confidences = jnp.max(softmaxes, axis=1)
    predictions = jnp.argmax(softmaxes, axis=1)
    accuracies = (predictions == labels).astype(jnp.float32)
    bounds = np.linspace(0.0, 1.0, N_BINS + 1)
    bin_lowers = bounds[:-1]
    bin_uppers = bounds[1:]
    n = confidences.shape[0]
    ece = jnp.zeros((1,), dtype=jnp.float32)
    for i in range(N_BINS):
        in_bin = (confidences > float(bin_lowers[i])) & (confidences <= float(bin_uppers[i]))
        inb = in_bin.astype(jnp.float32)
        cnt = jnp.sum(inb)
        prop_in_bin = cnt / n
        denom = jnp.maximum(cnt, 1.0)
        accuracy_in_bin = jnp.sum(accuracies * inb) / denom
        avg_confidence_in_bin = jnp.sum(confidences * inb) / denom
        contrib = jnp.abs(avg_confidence_in_bin - accuracy_in_bin) * prop_in_bin
        ece = ece + jnp.where(cnt > 0, contrib, 0.0)
    return ece

if __name__ == "__main__":
    import jax
    _d = setup_inputs()
    print(jax.jit(kernel)(*tuple(_d.values())))

</pallas_src>

<mosaic_0001>
#map = affine_map<(d0, d1) -> (0)>
#map1 = affine_map<(d0, d1) -> (0, 0, 0)>
module attributes {stable_mosaic.version = 14 : i64} {
  func.func @_sc_bin_body(%arg0: i32, %arg1: i32, %arg2: memref<16384xf32, #tpu.memory_space<hbm>>, %arg3: memref<16384xf32, #tpu.memory_space<hbm>>, %arg4: memref<32x45x16xf32, #tpu.memory_space<hbm>>, %arg5: memref<512xf32, #tpu.memory_space<vmem>>, %arg6: memref<512xf32, #tpu.memory_space<vmem>>, %arg7: memref<45x16xf32, #tpu.memory_space<vmem>>) attributes {dimension_semantics = [#tpu.dimension_semantics<core_parallel>, #tpu.dimension_semantics<subcore_parallel>], iteration_bounds = array<i64: 2, 16>, scalar_prefetch = 0 : i64, scratch_operands = 3 : i64, tpu.core_type = #tpu.core_type<sc_vector_subcore>, window_params = [{transform_indices = #map}, {transform_indices = #map}, {transform_indices = #map1}]} {
    %mul3A = arith.constant 2 : i32
    %mul3A_0 = arith.muli %arg1, %mul3A : i32
    %add3A = arith.addi %mul3A_0, %arg0 : i32
    %mul3A_1 = arith.constant 512 : i32
    %mul3A_2 = arith.muli %add3A, %mul3A_1 : i32
    "tpu.region"() ({
      %run_scoped3A = tpu.sem_alloc : memref<!tpu.dma_semaphore, #tpu.memory_space<semaphore_mem>>
      %dma_start3A = tpu.memref_slice %arg2[%mul3A_2] : memref<16384xf32, #tpu.memory_space<hbm>> -> memref<512xf32, #tpu.memory_space<hbm>>
      %dma_start3A_278 = tpu.memref_slice %arg2[%mul3A_2] : memref<16384xf32, #tpu.memory_space<hbm>> -> memref<512xf32, #tpu.memory_space<hbm>>
      tpu.enqueue_dma source(%dma_start3A_278 : memref<512xf32, #tpu.memory_space<hbm>>) target(%arg5 : memref<512xf32, #tpu.memory_space<vmem>>) target_semaphore(%run_scoped3A : memref<!tpu.dma_semaphore, #tpu.memory_space<semaphore_mem>>)
      %dma_wait3A = tpu.memref_slice %arg2[%mul3A_2] : memref<16384xf32, #tpu.memory_space<hbm>> -> memref<512xf32, #tpu.memory_space<hbm>>
      %dma_wait3A_279 = tpu.memref_slice %arg2[%mul3A_2] : memref<16384xf32, #tpu.memory_space<hbm>> -> memref<512xf32, #tpu.memory_space<hbm>>
      tpu.wait_dma2 semaphore(%run_scoped3A : memref<!tpu.dma_semaphore, #tpu.memory_space<semaphore_mem>>) src(%dma_wait3A_279 : memref<512xf32, #tpu.memory_space<hbm>>) dst(%arg5 : memref<512xf32, #tpu.memory_space<vmem>>)
      tpu.yield
    }) : () -> ()
    "tpu.region"() ({
      %run_scoped3A = tpu.sem_alloc : memref<!tpu.dma_semaphore, #tpu.memory_space<semaphore_mem>>
      %dma_start3A = tpu.memref_slice %arg3[%mul3A_2] : memref<16384xf32, #tpu.memory_space<hbm>> -> memref<512xf32, #tpu.memory_space<hbm>>
      %dma_start3A_278 = tpu.memref_slice %arg3[%mul3A_2] : memref<16384xf32, #tpu.memory_space<hbm>> -> memref<512xf32, #tpu.memory_space<hbm>>
      tpu.enqueue_dma source(%dma_start3A_278 : memref<512xf32, #tpu.memory_space<hbm>>) target(%arg6 : memref<512xf32, #tpu.memory_space<vmem>>) target_semaphore(%run_scoped3A : memref<!tpu.dma_semaphore, #tpu.memory_space<semaphore_mem>>)
      %dma_wait3A = tpu.memref_slice %arg3[%mul3A_2] : memref<16384xf32, #tpu.memory_space<hbm>> -> memref<512xf32, #tpu.memory_space<hbm>>
      %dma_wait3A_279 = tpu.memref_slice %arg3[%mul3A_2] : memref<16384xf32, #tpu.memory_space<hbm>> -> memref<512xf32, #tpu.memory_space<hbm>>
      tpu.wait_dma2 semaphore(%run_scoped3A : memref<!tpu.dma_semaphore, #tpu.memory_space<semaphore_mem>>) src(%dma_wait3A_279 : memref<512xf32, #tpu.memory_space<hbm>>) dst(%arg6 : memref<512xf32, #tpu.memory_space<vmem>>)
      tpu.yield
    }) : () -> ()
    %broadcast_in_dim3A = arith.constant 0.000000e+00 : f32
    %broadcast_in_dim3A_3 = vector.broadcast %broadcast_in_dim3A : f32 to vector<16xf32>
    %swap3A = arith.constant 0 : i32
    %swap3A_4 = arith.index_cast %swap3A : i32 to index
    %swap3A_5 = arith.constant 0 : index
    %swap3A_6 = tpu.vector_load %arg7[%swap3A_4, %swap3A_5] {strides = array<i32>} : memref<45x16xf32, #tpu.memory_space<vmem>>, vector<1x16xf32>,
    %swap3A_7 = vector.shape_cast %swap3A_6 : vector<1x16xf32> to vector<16xf32>
    %swap3A_8 = vector.shape_cast %broadcast_in_dim3A_3 : vector<16xf32> to vector<1x16xf32>
    tpu.vector_store %arg7[%swap3A_4, %swap3A_5], %swap3A_8 {strides = array<i32>} : memref<45x16xf32, #tpu.memory_space<vmem>>, vector<1x16xf32>,
    %swap3A_9 = arith.constant 1 : i32
    %swap3A_10 = arith.index_cast %swap3A_9 : i32 to index
    %swap3A_11 = arith.constant 0 : index
    %swap3A_12 = tpu.vector_load %arg7[%swap3A_10, %swap3A_11] {strides = array<i32>} : memref<45x16xf32, #tpu.memory_space<vmem>>, vector<1x16xf32>,
    %swap3A_13 = vector.shape_cast %swap3A_12 : vector<1x16xf32> to vector<16xf32>
    %swap3A_14 = vector.shape_cast %broadcast_in_dim3A_3 : vector<16xf32> to vector<1x16xf32>
    tpu.vector_store %arg7[%swap3A_10, %swap3A_11], %swap3A_14 {strides = array<i32>} : memref<45x16xf32, #tpu.memory_space<vmem>>, vector<1x16xf32>,
    %swap3A_15 = arith.constant 2 : i32
    %swap3A_16 = arith.index_cast %swap3A_15 : i32 to index
    %swap3A_17 = arith.constant 0 : index
    %swap3A_18 = tpu.vector_load %arg7[%swap3A_16, %swap3A_17] {strides = array<i32>} : memref<45x16xf32, #tpu.memory_space<vmem>>, vector<1x16xf32>,
    %swap3A_19 = vector.shape_cast %swap3A_18 : vector<1x16xf32> to vector<16xf32>
    %swap3A_20 = vector.shape_cast %broadcast_in_dim3A_3 : vector<16xf32> to vector<1x16xf32>
    tpu.vector_store %arg7[%swap3A_16, %swap3A_17], %swap3A_20 {strides = array<i32>} : memref<45x16xf32, #tpu.memory_space<vmem>>, vector<1x16xf32>,
    %swap3A_21 = arith.constant 3 : i32
    %swap3A_22 = arith.index_cast %swap3A_21 : i32 to index
    %swap3A_23 = arith.constant 0 : index
    %swap3A_24 = tpu.vector_load %arg7[%swap3A_22, %swap3A_23] {strides = array<i32>} : memref<45x16xf32, #tpu.memory_space<vmem>>, vector<1x16xf32>,
    %swap3A_25 = vector.shape_cast %swap3A_24 : vector<1x16xf32> to vector<16xf32>
    %swap3A_26 = vector.shape_cast %broadcast_in_dim3A_3 : vector<16xf32> to vector<1x16xf32>
    tpu.vector_store %arg7[%swap3A_22, %swap3A_23], %swap3A_26 {strides = array<i32>} : memref<45x16xf32, #tpu.memory_space<vmem>>, vector<1x16xf32>,
    %swap3A_27 = arith.constant 4 : i32
    %swap3A_28 = arith.index_cast %swap3A_27 : i32 to index
    %swap3A_29 = arith.constant 0 : index
    %swap3A_30 = tpu.vector_load %arg7[%swap3A_28, %swap3A_29] {strides = array<i32>} : memref<45x16xf32, #tpu.memory_space<vmem>>, vector<1x16xf32>,
    %swap3A_31 = vector.shape_cast %swap3A_30 : vector<1x16xf32> to vector<16xf32>
    %swap3A_32 = vector.shape_cast %broadcast_in_dim3A_3 : vector<16xf32> to vector<1x16xf32>
    tpu.vector_store %arg7[%swap3A_28, %swap3A_29], %swap3A_32 {strides = array<i32>} : memref<45x16xf32, #tpu.memory_space<vmem>>, vector<1x16xf32>,
    %swap3A_33 = arith.constant 5 : i32
    %swap3A_34 = arith.index_cast %swap3A_33 : i32 to index
    %swap3A_35 = arith.constant 0 : index
    %swap3A_36 = tpu.vector_load %arg7[%swap3A_34, %swap3A_35] {strides = array<i32>} : memref<45x16xf32, #tpu.memory_space<vmem>>, vector<1x16xf32>,
    %swap3A_37 = vector.shape_cast %swap3A_36 : vector<1x16xf32> to vector<16xf32>
    %swap3A_38 = vector.shape_cast %broadcast_in_dim3A_3 : vector<16xf32> to vector<1x16xf32>
    tpu.vector_store %arg7[%swap3A_34, %swap3A_35], %swap3A_38 {strides = array<i32>} : memref<45x16xf32, #tpu.memory_space<vmem>>, vector<1x16xf32>,
    %swap3A_39 = arith.constant 6 : i32
    %swap3A_40 = arith.index_cast %swap3A_39 : i32 to index
    %swap3A_41 = arith.constant 0 : index
    %swap3A_42 = tpu.vector_load %arg7[%swap3A_40, %swap3A_41] {strides = array<i32>} : memref<45x16xf32, #tpu.memory_space<vmem>>, vector<1x16xf32>,
    %swap3A_43 = vector.shape_cast %swap3A_42 : vector<1x16xf32> to vector<16xf32>
    %swap3A_44 = vector.shape_cast %broadcast_in_dim3A_3 : vector<16xf32> to vector<1x16xf32>
    tpu.vector_store %arg7[%swap3A_40, %swap3A_41], %swap3A_44 {strides = array<i32>} : memref<45x16xf32, #tpu.memory_space<vmem>>, vector<1x16xf32>,
    %swap3A_45 = arith.constant 7 : i32
    %swap3A_46 = arith.index_cast %swap3A_45 : i32 to index
    %swap3A_47 = arith.constant 0 : index
    %swap3A_48 = tpu.vector_load %arg7[%swap3A_46, %swap3A_47] {strides = array<i32>} : memref<45x16xf32, #tpu.memory_space<vmem>>, vector<1x16xf32>,
    %swap3A_49 = vector.shape_cast %swap3A_48 : vector<1x16xf32> to vector<16xf32>
    %swap3A_50 = vector.shape_cast %broadcast_in_dim3A_3 : vector<16xf32> to vector<1x16xf32>
    tpu.vector_store %arg7[%swap3A_46, %swap3A_47], %swap3A_50 {strides = array<i32>} : memref<45x16xf32, #tpu.memory_space<vmem>>, vector<1x16xf32>,
    %swap3A_51 = arith.constant 8 : i32
    %swap3A_52 = arith.index_cast %swap3A_51 : i32 to index
    %swap3A_53 = arith.constant 0 : index
    %swap3A_54 = tpu.vector_load %arg7[%swap3A_52, %swap3A_53] {strides = array<i32>} : memref<45x16xf32, #tpu.memory_space<vmem>>, vector<1x16xf32>,
    %swap3A_55 = vector.shape_cast %swap3A_54 : vector<1x16xf32> to vector<16xf32>
    %swap3A_56 = vector.shape_cast %broadcast_in_dim3A_3 : vector<16xf32> to vector<1x16xf32>
    tpu.vector_store %arg7[%swap3A_52, %swap3A_53], %swap3A_56 {strides = array<i32>} : memref<45x16xf32, #tpu.memory_space<vmem>>, vector<1x16xf32>,
    %swap3A_57 = arith.constant 9 : i32
    %swap3A_58 = arith.index_cast %swap3A_57 : i32 to index
    %swap3A_59 = arith.constant 0 : index
    %swap3A_60 = tpu.vector_load %arg7[%swap3A_58, %swap3A_59] {strides = array<i32>} : memref<45x16xf32, #tpu.memory_space<vmem>>, vector<1x16xf32>,
    %swap3A_61 = vector.shape_cast %swap3A_60 : vector<1x16xf32> to vector<16xf32>
    %swap3A_62 = vector.shape_cast %broadcast_in_dim3A_3 : vector<16xf32> to vector<1x16xf32>
    tpu.vector_store %arg7[%swap3A_58, %swap3A_59], %swap3A_62 {strides = array<i32>} : memref<45x16xf32, #tpu.memory_space<vmem>>, vector<1x16xf32>,
    %swap3A_63 = arith.constant 10 : i32
    %swap3A_64 = arith.index_cast %swap3A_63 : i32 to index
    %swap3A_65 = arith.constant 0 : index
    %swap3A_66 = tpu.vector_load %arg7[%swap3A_64, %swap3A_65] {strides = array<i32>} : memref<45x16xf32, #tpu.memory_space<vmem>>, vector<1x16xf32>,
    %swap3A_67 = vector.shape_cast %swap3A_66 : vector<1x16xf32> to vector<16xf32>
    %swap3A_68 = vector.shape_cast %broadcast_in_dim3A_3 : vector<16xf32> to vector<1x16xf32>
    tpu.vector_store %arg7[%swap3A_64, %swap3A_65], %swap3A_68 {strides = array<i32>} : memref<45x16xf32, #tpu.memory_space<vmem>>, vector<1x16xf32>,
    %swap3A_69 = arith.constant 11 : i32
    %swap3A_70 = arith.index_cast %swap3A_69 : i32 to index
    %swap3A_71 = arith.constant 0 : index
    %swap3A_72 = tpu.vector_load %arg7[%swap3A_70, %swap3A_71] {strides = array<i32>} : memref<45x16xf32, #tpu.memory_space<vmem>>, vector<1x16xf32>,
    %swap3A_73 = vector.shape_cast %swap3A_72 : vector<1x16xf32> to vector<16xf32>
    %swap3A_74 = vector.shape_cast %broadcast_in_dim3A_3 : vector<16xf32> to vector<1x16xf32>
    tpu.vector_store %arg7[%swap3A_70, %swap3A_71], %swap3A_74 {strides = array<i32>} : memref<45x16xf32, #tpu.memory_space<vmem>>, vector<1x16xf32>,
    %swap3A_75 = arith.constant 12 : i32
    %swap3A_76 = arith.index_cast %swap3A_75 : i32 to index
    %swap3A_77 = arith.constant 0 : index
    %swap3A_78 = tpu.vector_load %arg7[%swap3A_76, %swap3A_77] {strides = array<i32>} : memref<45x16xf32, #tpu.memory_space<vmem>>, vector<1x16xf32>,
    %swap3A_79 = vector.shape_cast %swap3A_78 : vector<1x16xf32> to vector<16xf32>
    %swap3A_80 = vector.shape_cast %broadcast_in_dim3A_3 : vector<16xf32> to vector<1x16xf32>
    tpu.vector_store %arg7[%swap3A_76, %swap3A_77], %swap3A_80 {strides = array<i32>} : memref<45x16xf32, #tpu.memory_space<vmem>>, vector<1x16xf32>,
    %swap3A_81 = arith.constant 13 : i32
    %swap3A_82 = arith.index_cast %swap3A_81 : i32 to index
    %swap3A_83 = arith.constant 0 : index
    %swap3A_84 = tpu.vector_load %arg7[%swap3A_82, %swap3A_83] {strides = array<i32>} : memref<45x16xf32, #tpu.memory_space<vmem>>, vector<1x16xf32>,
    %swap3A_85 = vector.shape_cast %swap3A_84 : vector<1x16xf32> to vector<16xf32>
    %swap3A_86 = vector.shape_cast %broadcast_in_dim3A_3 : vector<16xf32> to vector<1x16xf32>
    tpu.vector_store %arg7[%swap3A_82, %swap3A_83], %swap3A_86 {strides = array<i32>} : memref<45x16xf32, #tpu.memory_space<vmem>>, vector<1x16xf32>,
    %swap3A_87 = arith.constant 14 : i32
    %swap3A_88 = arith.index_cast %swap3A_87 : i32 to index
    %swap3A_89 = arith.constant 0 : index
    %swap3A_90 = tpu.vector_load %arg7[%swap3A_88, %swap3A_89] {strides = array<i32>} : memref<45x16xf32, #tpu.memory_space<vmem>>, vector<1x16xf32>,
    %swap3A_91 = vector.shape_cast %swap3A_90 : vector<1x16xf32> to vector<16xf32>
    %swap3A_92 = vector.shape_cast %broadcast_in_dim3A_3 : vector<16xf32> to vector<1x16xf32>
    tpu.vector_store %arg7[%swap3A_88, %swap3A_89], %swap3A_92 {strides = array<i32>} : memref<45x16xf32, #tpu.memory_space<vmem>>, vector<1x16xf32>,
    %swap3A_93 = arith.constant 15 : i32
    %swap3A_94 = arith.index_cast %swap3A_93 : i32 to index
    %swap3A_95 = arith.constant 0 : index
    %swap3A_96 = tpu.vector_load %arg7[%swap3A_94, %swap3A_95] {strides = array<i32>} : memref<45x16xf32, #tpu.memory_space<vmem>>, vector<1x16xf32>,
    %swap3A_97 = vector.shape_cast %swap3A_96 : vector<1x16xf32> to vector<16xf32>
    %swap3A_98 = vector.shape_cast %broadcast_in_dim3A_3 : vector<16xf32> to vector<1x16xf32>
    tpu.vector_store %arg7[%swap3A_94, %swap3A_95], %swap3A_98 {strides = array<i32>} : memref<45x16xf32, #tpu.memory_space<vmem>>, vector<1x16xf32>,
    %swap3A_99 = arith.constant 16 : i32
    %swap3A_100 = arith.index_cast %swap3A_99 : i32 to index
    %swap3A_101 = arith.constant 0 : index
    %swap3A_102 = tpu.vector_load %arg7[%swap3A_100, %swap3A_101] {strides = array<i32>} : memref<45x16xf32, #tpu.memory_space<vmem>>, vector<1x16xf32>,
    %swap3A_103 = vector.shape_cast %swap3A_102 : vector<1x16xf32> to vector<16xf32>
    %swap3A_104 = vector.shape_cast %broadcast_in_dim3A_3 : vector<16xf32> to vector<1x16xf32>
    tpu.vector_store %arg7[%swap3A_100, %swap3A_101], %swap3A_104 {strides = array<i32>} : memref<45x16xf32, #tpu.memory_space<vmem>>, vector<1x16xf32>,
    %swap3A_105 = arith.constant 17 : i32
    %swap3A_106 = arith.index_cast %swap3A_105 : i32 to index
    %swap3A_107 = arith.constant 0 : index
    %swap3A_108 = tpu.vector_load %arg7[%swap3A_106, %swap3A_107] {strides = array<i32>} : memref<45x16xf32, #tpu.memory_space<vmem>>, vector<1x16xf32>,
    %swap3A_109 = vector.shape_cast %swap3A_108 : vector<1x16xf32> to vector<16xf32>
    %swap3A_110 = vector.shape_cast %broadcast_in_dim3A_3 : vector<16xf32> to vector<1x16xf32>
    tpu.vector_store %arg7[%swap3A_106, %swap3A_107], %swap3A_110 {strides = array<i32>} : memref<45x16xf32, #tpu.memory_space<vmem>>, vector<1x16xf32>,
    %swap3A_111 = arith.constant 18 : i32
    %swap3A_112 = arith.index_cast %swap3A_111 : i32 to index
    %swap3A_113 = arith.constant 0 : index
    %swap3A_114 = tpu.vector_load %arg7[%swap3A_112, %swap3A_113] {strides = array<i32>} : memref<45x16xf32, #tpu.memory_space<vmem>>, vector<1x16xf32>,
    %swap3A_115 = vector.shape_cast %swap3A_114 : vector<1x16xf32> to vector<16xf32>
    %swap3A_116 = vector.shape_cast %broadcast_in_dim3A_3 : vector<16xf32> to vector<1x16xf32>
    tpu.vector_store %arg7[%swap3A_112, %swap3A_113], %swap3A_116 {strides = array<i32>} : memref<45x16xf32, #tpu.memory_space<vmem>>, vector<1x16xf32>,
    %swap3A_117 = arith.constant 19 : i32
    %swap3A_118 = arith.index_cast %swap3A_117 : i32 to index
    %swap3A_119 = arith.constant 0 : index
    %swap3A_120 = tpu.vector_load %arg7[%swap3A_118, %swap3A_119] {strides = array<i32>} : memref<45x16xf32, #tpu.memory_space<vmem>>, vector<1x16xf32>,
    %swap3A_121 = vector.shape_cast %swap3A_120 : vector<1x16xf32> to vector<16xf32>
    %swap3A_122 = vector.shape_cast %broadcast_in_dim3A_3 : vector<16xf32> to vector<1x16xf32>
    tpu.vector_store %arg7[%swap3A_118, %swap3A_119], %swap3A_122 {strides = array<i32>} : memref<45x16xf32, #tpu.memory_space<vmem>>, vector<1x16xf32>,
    %swap3A_123 = arith.constant 20 : i32
    %swap3A_124 = arith.index_cast %swap3A_123 : i32 to index
    %swap3A_125 = arith.constant 0 : index
    %swap3A_126 = tpu.vector_load %arg7[%swap3A_124, %swap3A_125] {strides = array<i32>} : memref<45x16xf32, #tpu.memory_space<vmem>>, vector<1x16xf32>,
    %swap3A_127 = vector.shape_cast %swap3A_126 : vector<1x16xf32> to vector<16xf32>
    %swap3A_128 = vector.shape_cast %broadcast_in_dim3A_3 : vector<16xf32> to vector<1x16xf32>
    tpu.vector_store %arg7[%swap3A_124, %swap3A_125], %swap3A_128 {strides = array<i32>} : memref<45x16xf32, #tpu.memory_space<vmem>>, vector<1x16xf32>,
    %swap3A_129 = arith.constant 21 : i32
    %swap3A_130 = arith.index_cast %swap3A_129 : i32 to index
    %swap3A_131 = arith.constant 0 : index
    %swap3A_132 = tpu.vector_load %arg7[%swap3A_130, %swap3A_131] {strides = array<i32>} : memref<45x16xf32, #tpu.memory_space<vmem>>, vector<1x16xf32>,
    %swap3A_133 = vector.shape_cast %swap3A_132 : vector<1x16xf32> to vector<16xf32>
    %swap3A_134 = vector.shape_cast %broadcast_in_dim3A_3 : vector<16xf32> to vector<1x16xf32>
    tpu.vector_store %arg7[%swap3A_130, %swap3A_131], %swap3A_134 {strides = array<i32>} : memref<45x16xf32, #tpu.memory_space<vmem>>, vector<1x16xf32>,
    %swap3A_135 = arith.constant 22 : i32
    %swap3A_136 = arith.index_cast %swap3A_135 : i32 to index
    %swap3A_137 = arith.constant 0 : index
    %swap3A_138 = tpu.vector_load %arg7[%swap3A_136, %swap3A_137] {strides = array<i32>} : memref<45x16xf32, #tpu.memory_space<vmem>>, vector<1x16xf32>,
    %swap3A_139 = vector.shape_cast %swap3A_138 : vector<1x16xf32> to vector<16xf32>
    %swap3A_140 = vector.shape_cast %broadcast_in_dim3A_3 : vector<16xf32> to vector<1x16xf32>
    tpu.vector_store %arg7[%swap3A_136, %swap3A_137], %swap3A_140 {strides = array<i32>} : memref<45x16xf32, #tpu.memory_space<vmem>>, vector<1x16xf32>,
    %swap3A_141 = arith.constant 23 : i32
    %swap3A_142 = arith.index_cast %swap3A_141 : i32 to index
    %swap3A_143 = arith.constant 0 : index
    %swap3A_144 = tpu.vector_load %arg7[%swap3A_142, %swap3A_143] {strides = array<i32>} : memref<45x16xf32, #tpu.memory_space<vmem>>, vector<1x16xf32>,
    %swap3A_145 = vector.shape_cast %swap3A_144 : vector<1x16xf32> to vector<16xf32>
    %swap3A_146 = vector.shape_cast %broadcast_in_dim3A_3 : vector<16xf32> to vector<1x16xf32>
    tpu.vector_store %arg7[%swap3A_142, %swap3A_143], %swap3A_146 {strides = array<i32>} : memref<45x16xf32, #tpu.memory_space<vmem>>, vector<1x16xf32>,
    %swap3A_147 = arith.constant 24 : i32
    %swap3A_148 = arith.index_cast %swap3A_147 : i32 to index
    %swap3A_149 = arith.constant 0 : index
    %swap3A_150 = tpu.vector_load %arg7[%swap3A_148, %swap3A_149] {strides = array<i32>} : memref<45x16xf32, #tpu.memory_space<vmem>>, vector<1x16xf32>,
    %swap3A_151 = vector.shape_cast %swap3A_150 : vector<1x16xf32> to vector<16xf32>
    %swap3A_152 = vector.shape_cast %broadcast_in_dim3A_3 : vector<16xf32> to vector<1x16xf32>
    tpu.vector_store %arg7[%swap3A_148, %swap3A_149], %swap3A_152 {strides = array<i32>} : memref<45x16xf32, #tpu.memory_space<vmem>>, vector<1x16xf32>,
    %swap3A_153 = arith.constant 25 : i32
    %swap3A_154 = arith.index_cast %swap3A_153 : i32 to index
    %swap3A_155 = arith.constant 0 : index
    %swap3A_156 = tpu.vector_load %arg7[%swap3A_154, %swap3A_155] {strides = array<i32>} : memref<45x16xf32, #tpu.memory_space<vmem>>, vector<1x16xf32>,
    %swap3A_157 = vector.shape_cast %swap3A_156 : vector<1x16xf32> to vector<16xf32>
    %swap3A_158 = vector.shape_cast %broadcast_in_dim3A_3 : vector<16xf32> to vector<1x16xf32>
    tpu.vector_store %arg7[%swap3A_154, %swap3A_155], %swap3A_158 {strides = array<i32>} : memref<45x16xf32, #tpu.memory_space<vmem>>, vector<1x16xf32>,
    %swap3A_159 = arith.constant 26 : i32
    %swap3A_160 = arith.index_cast %swap3A_159 : i32 to index
    %swap3A_161 = arith.constant 0 : index
    %swap3A_162 = tpu.vector_load %arg7[%swap3A_160, %swap3A_161] {strides = array<i32>} : memref<45x16xf32, #tpu.memory_space<vmem>>, vector<1x16xf32>,
    %swap3A_163 = vector.shape_cast %swap3A_162 : vector<1x16xf32> to vector<16xf32>
    %swap3A_164 = vector.shape_cast %broadcast_in_dim3A_3 : vector<16xf32> to vector<1x16xf32>
    tpu.vector_store %arg7[%swap3A_160, %swap3A_161], %swap3A_164 {strides = array<i32>} : memref<45x16xf32, #tpu.memory_space<vmem>>, vector<1x16xf32>,
    %swap3A_165 = arith.constant 27 : i32
    %swap3A_166 = arith.index_cast %swap3A_165 : i32 to index
    %swap3A_167 = arith.constant 0 : index
    %swap3A_168 = tpu.vector_load %arg7[%swap3A_166, %swap3A_167] {strides = array<i32>} : memref<45x16xf32, #tpu.memory_space<vmem>>, vector<1x16xf32>,
    %swap3A_169 = vector.shape_cast %swap3A_168 : vector<1x16xf32> to vector<16xf32>
    %swap3A_170 = vector.shape_cast %broadcast_in_dim3A_3 : vector<16xf32> to vector<1x16xf32>
    tpu.vector_store %arg7[%swap3A_166, %swap3A_167], %swap3A_170 {strides = array<i32>} : memref<45x16xf32, #tpu.memory_space<vmem>>, vector<1x16xf32>,
    %swap3A_171 = arith.constant 28 : i32
    %swap3A_172 = arith.index_cast %swap3A_171 : i32 to index
    %swap3A_173 = arith.constant 0 : index
    %swap3A_174 = tpu.vector_load %arg7[%swap3A_172, %swap3A_173] {strides = array<i32>} : memref<45x16xf32, #tpu.memory_space<vmem>>, vector<1x16xf32>,
    %swap3A_175 = vector.shape_cast %swap3A_174 : vector<1x16xf32> to vector<16xf32>
    %swap3A_176 = vector.shape_cast %broadcast_in_dim3A_3 : vector<16xf32> to vector<1x16xf32>
    tpu.vector_store %arg7[%swap3A_172, %swap3A_173], %swap3A_176 {strides = array<i32>} : memref<45x16xf32, #tpu.memory_space<vmem>>, vector<1x16xf32>,
    %swap3A_177 = arith.constant 29 : i32
    %swap3A_178 = arith.index_cast %swap3A_177 : i32 to index
    %swap3A_179 = arith.constant 0 : index
    %swap3A_180 = tpu.vector_load %arg7[%swap3A_178, %swap3A_179] {strides = array<i32>} : memref<45x16xf32, #tpu.memory_space<vmem>>, vector<1x16xf32>,
    %swap3A_181 = vector.shape_cast %swap3A_180 : vector<1x16xf32> to vector<16xf32>
    %swap3A_182 = vector.shape_cast %broadcast_in_dim3A_3 : vector<16xf32> to vector<1x16xf32>
    tpu.vector_store %arg7[%swap3A_178, %swap3A_179], %swap3A_182 {strides = array<i32>} : memref<45x16xf32, #tpu.memory_space<vmem>>, vector<1x16xf32>,
    %swap3A_183 = arith.constant 30 : i32
    %swap3A_184 = arith.index_cast %swap3A_183 : i32 to index
    %swap3A_185 = arith.constant 0 : index
    %swap3A_186 = tpu.vector_load %arg7[%swap3A_184, %swap3A_185] {strides = array<i32>} : memref<45x16xf32, #tpu.memory_space<vmem>>, vector<1x16xf32>,
    %swap3A_187 = vector.shape_cast %swap3A_186 : vector<1x16xf32> to vector<16xf32>
    %swap3A_188 = vector.shape_cast %broadcast_in_dim3A_3 : vector<16xf32> to vector<1x16xf32>
    tpu.vector_store %arg7[%swap3A_184, %swap3A_185], %swap3A_188 {strides = array<i32>} : memref<45x16xf32, #tpu.memory_space<vmem>>, vector<1x16xf32>,
    %swap3A_189 = arith.constant 31 : i32
    %swap3A_190 = arith.index_cast %swap3A_189 : i32 to index
    %swap3A_191 = arith.constant 0 : index
    %swap3A_192 = tpu.vector_load %arg7[%swap3A_190, %swap3A_191] {strides = array<i32>} : memref<45x16xf32, #tpu.memory_space<vmem>>, vector<1x16xf32>,
    %swap3A_193 = vector.shape_cast %swap3A_192 : vector<1x16xf32> to vector<16xf32>
    %swap3A_194 = vector.shape_cast %broadcast_in_dim3A_3 : vector<16xf32> to vector<1x16xf32>
    tpu.vector_store %arg7[%swap3A_190, %swap3A_191], %swap3A_194 {strides = array<i32>} : memref<45x16xf32, #tpu.memory_space<vmem>>, vector<1x16xf32>,
    %swap3A_195 = arith.constant 32 : i32
    %swap3A_196 = arith.index_cast %swap3A_195 : i32 to index
    %swap3A_197 = arith.constant 0 : index
    %swap3A_198 = tpu.vector_load %arg7[%swap3A_196, %swap3A_197] {strides = array<i32>} : memref<45x16xf32, #tpu.memory_space<vmem>>, vector<1x16xf32>,
    %swap3A_199 = vector.shape_cast %swap3A_198 : vector<1x16xf32> to vector<16xf32>
    %swap3A_200 = vector.shape_cast %broadcast_in_dim3A_3 : vector<16xf32> to vector<1x16xf32>
    tpu.vector_store %arg7[%swap3A_196, %swap3A_197], %swap3A_200 {strides = array<i32>} : memref<45x16xf32, #tpu.memory_space<vmem>>, vector<1x16xf32>,
    %swap3A_201 = arith.constant 33 : i32
    %swap3A_202 = arith.index_cast %swap3A_201 : i32 to index
    %swap3A_203 = arith.constant 0 : index
    %swap3A_204 = tpu.vector_load %arg7[%swap3A_202, %swap3A_203] {strides = array<i32>} : memref<45x16xf32, #tpu.memory_space<vmem>>, vector<1x16xf32>,
    %swap3A_205 = vector.shape_cast %swap3A_204 : vector<1x16xf32> to vector<16xf32>
    %swap3A_206 = vector.shape_cast %broadcast_in_dim3A_3 : vector<16xf32> to vector<1x16xf32>
    tpu.vector_store %arg7[%swap3A_202, %swap3A_203], %swap3A_206 {strides = array<i32>} : memref<45x16xf32, #tpu.memory_space<vmem>>, vector<1x16xf32>,
    %swap3A_207 = arith.constant 34 : i32
    %swap3A_208 = arith.index_cast %swap3A_207 : i32 to index
    %swap3A_209 = arith.constant 0 : index
    %swap3A_210 = tpu.vector_load %arg7[%swap3A_208, %swap3A_209] {strides = array<i32>} : memref<45x16xf32, #tpu.memory_space<vmem>>, vector<1x16xf32>,
    %swap3A_211 = vector.shape_cast %swap3A_210 : vector<1x16xf32> to vector<16xf32>
    %swap3A_212 = vector.shape_cast %broadcast_in_dim3A_3 : vector<16xf32> to vector<1x16xf32>
    tpu.vector_store %arg7[%swap3A_208, %swap3A_209], %swap3A_212 {strides = array<i32>} : memref<45x16xf32, #tpu.memory_space<vmem>>, vector<1x16xf32>,
    %swap3A_213 = arith.constant 35 : i32
    %swap3A_214 = arith.index_cast %swap3A_213 : i32 to index
    %swap3A_215 = arith.constant 0 : index
    %swap3A_216 = tpu.vector_load %arg7[%swap3A_214, %swap3A_215] {strides = array<i32>} : memref<45x16xf32, #tpu.memory_space<vmem>>, vector<1x16xf32>,
    %swap3A_217 = vector.shape_cast %swap3A_216 : vector<1x16xf32> to vector<16xf32>
    %swap3A_218 = vector.shape_cast %broadcast_in_dim3A_3 : vector<16xf32> to vector<1x16xf32>
    tpu.vector_store %arg7[%swap3A_214, %swap3A_215], %swap3A_218 {strides = array<i32>} : memref<45x16xf32, #tpu.memory_space<vmem>>, vector<1x16xf32>,
    %swap3A_219 = arith.constant 36 : i32
    %swap3A_220 = arith.index_cast %swap3A_219 : i32 to index
    %swap3A_221 = arith.constant 0 : index
    %swap3A_222 = tpu.vector_load %arg7[%swap3A_220, %swap3A_221] {strides = array<i32>} : memref<45x16xf32, #tpu.memory_space<vmem>>, vector<1x16xf32>,
    %swap3A_223 = vector.shape_cast %swap3A_222 : vector<1x16xf32> to vector<16xf32>
    %swap3A_224 = vector.shape_cast %broadcast_in_dim3A_3 : vector<16xf32> to vector<1x16xf32>
    tpu.vector_store %arg7[%swap3A_220, %swap3A_221], %swap3A_224 {strides = array<i32>} : memref<45x16xf32, #tpu.memory_space<vmem>>, vector<1x16xf32>,
    %swap3A_225 = arith.constant 37 : i32
    %swap3A_226 = arith.index_cast %swap3A_225 : i32 to index
    %swap3A_227 = arith.constant 0 : index
    %swap3A_228 = tpu.vector_load %arg7[%swap3A_226, %swap3A_227] {strides = array<i32>} : memref<45x16xf32, #tpu.memory_space<vmem>>, vector<1x16xf32>,
    %swap3A_229 = vector.shape_cast %swap3A_228 : vector<1x16xf32> to vector<16xf32>
    %swap3A_230 = vector.shape_cast %broadcast_in_dim3A_3 : vector<16xf32> to vector<1x16xf32>
    tpu.vector_store %arg7[%swap3A_226, %swap3A_227], %swap3A_230 {strides = array<i32>} : memref<45x16xf32, #tpu.memory_space<vmem>>, vector<1x16xf32>,
    %swap3A_231 = arith.constant 38 : i32
    %swap3A_232 = arith.index_cast %swap3A_231 : i32 to index
    %swap3A_233 = arith.constant 0 : index
    %swap3A_234 = tpu.vector_load %arg7[%swap3A_232, %swap3A_233] {strides = array<i32>} : memref<45x16xf32, #tpu.memory_space<vmem>>, vector<1x16xf32>,
    %swap3A_235 = vector.shape_cast %swap3A_234 : vector<1x16xf32> to vector<16xf32>
    %swap3A_236 = vector.shape_cast %broadcast_in_dim3A_3 : vector<16xf32> to vector<1x16xf32>
    tpu.vector_store %arg7[%swap3A_232, %swap3A_233], %swap3A_236 {strides = array<i32>} : memref<45x16xf32, #tpu.memory_space<vmem>>, vector<1x16xf32>,
    %swap3A_237 = arith.constant 39 : i32
    %swap3A_238 = arith.index_cast %swap3A_237 : i32 to index
    %swap3A_239 = arith.constant 0 : index
    %swap3A_240 = tpu.vector_load %arg7[%swap3A_238, %swap3A_239] {strides = array<i32>} : memref<45x16xf32, #tpu.memory_space<vmem>>, vector<1x16xf32>,
    %swap3A_241 = vector.shape_cast %swap3A_240 : vector<1x16xf32> to vector<16xf32>
    %swap3A_242 = vector.shape_cast %broadcast_in_dim3A_3 : vector<16xf32> to vector<1x16xf32>
    tpu.vector_store %arg7[%swap3A_238, %swap3A_239], %swap3A_242 {strides = array<i32>} : memref<45x16xf32, #tpu.memory_space<vmem>>, vector<1x16xf32>,
    %swap3A_243 = arith.constant 40 : i32
    %swap3A_244 = arith.index_cast %swap3A_243 : i32 to index
    %swap3A_245 = arith.constant 0 : index
    %swap3A_246 = tpu.vector_load %arg7[%swap3A_244, %swap3A_245] {strides = array<i32>} : memref<45x16xf32, #tpu.memory_space<vmem>>, vector<1x16xf32>,
    %swap3A_247 = vector.shape_cast %swap3A_246 : vector<1x16xf32> to vector<16xf32>
    %swap3A_248 = vector.shape_cast %broadcast_in_dim3A_3 : vector<16xf32> to vector<1x16xf32>
    tpu.vector_store %arg7[%swap3A_244, %swap3A_245], %swap3A_248 {strides = array<i32>} : memref<45x16xf32, #tpu.memory_space<vmem>>, vector<1x16xf32>,
    %swap3A_249 = arith.constant 41 : i32
    %swap3A_250 = arith.index_cast %swap3A_249 : i32 to index
    %swap3A_251 = arith.constant 0 : index
    %swap3A_252 = tpu.vector_load %arg7[%swap3A_250, %swap3A_251] {strides = array<i32>} : memref<45x16xf32, #tpu.memory_space<vmem>>, vector<1x16xf32>,
    %swap3A_253 = vector.shape_cast %swap3A_252 : vector<1x16xf32> to vector<16xf32>
    %swap3A_254 = vector.shape_cast %broadcast_in_dim3A_3 : vector<16xf32> to vector<1x16xf32>
    tpu.vector_store %arg7[%swap3A_250, %swap3A_251], %swap3A_254 {strides = array<i32>} : memref<45x16xf32, #tpu.memory_space<vmem>>, vector<1x16xf32>,
    %swap3A_255 = arith.constant 42 : i32
    %swap3A_256 = arith.index_cast %swap3A_255 : i32 to index
    %swap3A_257 = arith.constant 0 : index
    %swap3A_258 = tpu.vector_load %arg7[%swap3A_256, %swap3A_257] {strides = array<i32>} : memref<45x16xf32, #tpu.memory_space<vmem>>, vector<1x16xf32>,
    %swap3A_259 = vector.shape_cast %swap3A_258 : vector<1x16xf32> to vector<16xf32>
    %swap3A_260 = vector.shape_cast %broadcast_in_dim3A_3 : vector<16xf32> to vector<1x16xf32>
    tpu.vector_store %arg7[%swap3A_256, %swap3A_257], %swap3A_260 {strides = array<i32>} : memref<45x16xf32, #tpu.memory_space<vmem>>, vector<1x16xf32>,
    %swap3A_261 = arith.constant 43 : i32
    %swap3A_262 = arith.index_cast %swap3A_261 : i32 to index
    %swap3A_263 = arith.constant 0 : index
    %swap3A_264 = tpu.vector_load %arg7[%swap3A_262, %swap3A_263] {strides = array<i32>} : memref<45x16xf32, #tpu.memory_space<vmem>>, vector<1x16xf32>,
    %swap3A_265 = vector.shape_cast %swap3A_264 : vector<1x16xf32> to vector<16xf32>
    %swap3A_266 = vector.shape_cast %broadcast_in_dim3A_3 : vector<16xf32> to vector<1x16xf32>
    tpu.vector_store %arg7[%swap3A_262, %swap3A_263], %swap3A_266 {strides = array<i32>} : memref<45x16xf32, #tpu.memory_space<vmem>>, vector<1x16xf32>,
    %swap3A_267 = arith.constant 44 : i32
    %swap3A_268 = arith.index_cast %swap3A_267 : i32 to index
    %swap3A_269 = arith.constant 0 : index
    %swap3A_270 = tpu.vector_load %arg7[%swap3A_268, %swap3A_269] {strides = array<i32>} : memref<45x16xf32, #tpu.memory_space<vmem>>, vector<1x16xf32>,
    %swap3A_271 = vector.shape_cast %swap3A_270 : vector<1x16xf32> to vector<16xf32>
    %swap3A_272 = vector.shape_cast %broadcast_in_dim3A_3 : vector<16xf32> to vector<1x16xf32>
    tpu.vector_store %arg7[%swap3A_268, %swap3A_269], %swap3A_272 {strides = array<i32>} : memref<45x16xf32, #tpu.memory_space<vmem>>, vector<1x16xf32>,
    %scan3A = arith.constant 0 : i32
    %scan3A_273 = arith.constant 0 : i32
    %scan3A_274 = arith.constant 32 : i32
    %scan3A_275 = arith.addi %scan3A_273, %scan3A_274 : i32
    %scan3A_276 = arith.constant 1 : i32
    scf.for %scan3A_278 = %scan3A_273 to %scan3A_275 step %scan3A_276  : i32 {
      %mul3A_279 = arith.constant 16 : i32
      %mul3A_280 = arith.muli %scan3A_278, %mul3A_279 : i32
      %get3A = arith.index_cast %mul3A_280 : i32 to index
      %get3A_281 = tpu.vector_load %arg5[%get3A] {strides = array<i32>} : memref<512xf32, #tpu.memory_space<vmem>>, vector<16xf32>,
      %get3A_282 = vector.shape_cast %get3A_281 : vector<16xf32> to vector<16xf32>
      %mul3A_283 = arith.constant 16 : i32
      %mul3A_284 = arith.muli %scan3A_278, %mul3A_283 : i32
      %get3A_285 = arith.index_cast %mul3A_284 : i32 to index
      %get3A_286 = tpu.vector_load %arg6[%get3A_285] {strides = array<i32>} : memref<512xf32, #tpu.memory_space<vmem>>, vector<16xf32>,
      %get3A_287 = vector.shape_cast %get3A_286 : vector<16xf32> to vector<16xf32>
      %gt3A = arith.constant 0.000000e+00 : f32
      %gt3A_288 = vector.broadcast %gt3A : f32 to vector<16xf32>
      %gt3A_289 = arith.cmpf ogt, %get3A_282, %gt3A_288 : vector<16xf32>
      %le3A = arith.constant 0.0666666701 : f32
      %le3A_290 = vector.broadcast %le3A : f32 to vector<16xf32>
      %le3A_291 = arith.cmpf ole, %get3A_282, %le3A_290 : vector<16xf32>
      %and3A = arith.andi %gt3A_289, %le3A_291 : vector<16xi1>
      %jit3A = arith.constant 1.000000e+00 : f32
      %jit3A_292 = arith.constant 0.000000e+00 : f32
      %broadcast_in_dim3A_293 = vector.broadcast %jit3A : f32 to vector<16xf32>
      %broadcast_in_dim3A_294 = vector.broadcast %jit3A_292 : f32 to vector<16xf32>
      %select_n3A = arith.select %and3A, %broadcast_in_dim3A_293, %broadcast_in_dim3A_294 : vector<16xi1>, vector<16xf32>
      %swap3A_295 = arith.constant 0 : i32
      %swap3A_296 = arith.index_cast %swap3A_295 : i32 to index
      %swap3A_297 = arith.constant 0 : index
      %swap3A_298 = tpu.vector_load %arg7[%swap3A_296, %swap3A_297] {strides = array<i32>} : memref<45x16xf32, #tpu.memory_space<vmem>>, vector<1x16xf32>,
      %swap3A_299 = vector.shape_cast %swap3A_298 : vector<1x16xf32> to vector<16xf32>
      %swap3A_300 = vector.shape_cast %select_n3A : vector<16xf32> to vector<1x16xf32>
      tpu.vector_store %arg7[%swap3A_296, %swap3A_297], %swap3A_300 {add = true, strides = array<i32>} : memref<45x16xf32, #tpu.memory_space<vmem>>, vector<1x16xf32>,
      %mul3A_301 = arith.mulf %select_n3A, %get3A_282 : vector<16xf32>
      %swap3A_302 = arith.constant 15 : i32
      %swap3A_303 = arith.index_cast %swap3A_302 : i32 to index
      %swap3A_304 = arith.constant 0 : index
      %swap3A_305 = tpu.vector_load %arg7[%swap3A_303, %swap3A_304] {strides = array<i32>} : memref<45x16xf32, #tpu.memory_space<vmem>>, vector<1x16xf32>,
      %swap3A_306 = vector.shape_cast %swap3A_305 : vector<1x16xf32> to vector<16xf32>
      %swap3A_307 = vector.shape_cast %mul3A_301 : vector<16xf32> to vector<1x16xf32>
      tpu.vector_store %arg7[%swap3A_303, %swap3A_304], %swap3A_307 {add = true, strides = array<i32>} : memref<45x16xf32, #tpu.memory_space<vmem>>, vector<1x16xf32>,
      %mul3A_308 = arith.mulf %select_n3A, %get3A_287 : vector<16xf32>
      %swap3A_309 = arith.constant 30 : i32
      %swap3A_310 = arith.index_cast %swap3A_309 : i32 to index
      %swap3A_311 = arith.constant 0 : index
      %swap3A_312 = tpu.vector_load %arg7[%swap3A_310, %swap3A_311] {strides = array<i32>} : memref<45x16xf32, #tpu.memory_space<vmem>>, vector<1x16xf32>,
      %swap3A_313 = vector.shape_cast %swap3A_312 : vector<1x16xf32> to vector<16xf32>
      %swap3A_314 = vector.shape_cast %mul3A_308 : vector<16xf32> to vector<1x16xf32>
      tpu.vector_store %arg7[%swap3A_310, %swap3A_311], %swap3A_314 {add = true, strides = array<i32>} : memref<45x16xf32, #tpu.memory_space<vmem>>, vector<1x16xf32>,
      %gt3A_315 = arith.constant 0.0666666701 : f32
      %gt3A_316 = vector.broadcast %gt3A_315 : f32 to vector<16xf32>
      %gt3A_317 = arith.cmpf ogt, %get3A_282, %gt3A_316 : vector<16xf32>
      %le3A_318 = arith.constant 0.13333334 : f32
      %le3A_319 = vector.broadcast %le3A_318 : f32 to vector<16xf32>
      %le3A_320 = arith.cmpf ole, %get3A_282, %le3A_319 : vector<16xf32>
      %and3A_321 = arith.andi %gt3A_317, %le3A_320 : vector<16xi1>
      %jit3A_322 = arith.constant 1.000000e+00 : f32
      %jit3A_323 = arith.constant 0.000000e+00 : f32
      %broadcast_in_dim3A_324 = vector.broadcast %jit3A_322 : f32 to vector<16xf32>
      %broadcast_in_dim3A_325 = vector.broadcast %jit3A_323 : f32 to vector<16xf32>
      %select_n3A_326 = arith.select %and3A_321, %broadcast_in_dim3A_324, %broadcast_in_dim3A_325 : vector<16xi1>, vector<16xf32>
      %swap3A_327 = arith.constant 1 : i32
      %swap3A_328 = arith.index_cast %swap3A_327 : i32 to index
      %swap3A_329 = arith.constant 0 : index
      %swap3A_330 = tpu.vector_load %arg7[%swap3A_328, %swap3A_329] {strides = array<i32>} : memref<45x16xf32, #tpu.memory_space<vmem>>, vector<1x16xf32>,
      %swap3A_331 = vector.shape_cast %swap3A_330 : vector<1x16xf32> to vector<16xf32>
      %swap3A_332 = vector.shape_cast %select_n3A_326 : vector<16xf32> to vector<1x16xf32>
      tpu.vector_store %arg7[%swap3A_328, %swap3A_329], %swap3A_332 {add = true, strides = array<i32>} : memref<45x16xf32, #tpu.memory_space<vmem>>, vector<1x16xf32>,
      %mul3A_333 = arith.mulf %select_n3A_326, %get3A_282 : vector<16xf32>
      %swap3A_334 = arith.constant 16 : i32
      %swap3A_335 = arith.index_cast %swap3A_334 : i32 to index
      %swap3A_336 = arith.constant 0 : index
      %swap3A_337 = tpu.vector_load %arg7[%swap3A_335, %swap3A_336] {strides = array<i32>} : memref<45x16xf32, #tpu.memory_space<vmem>>, vector<1x16xf32>,
      %swap3A_338 = vector.shape_cast %swap3A_337 : vector<1x16xf32> to vector<16xf32>
      %swap3A_339 = vector.shape_cast %mul3A_333 : vector<16xf32> to vector<1x16xf32>
      tpu.vector_store %arg7[%swap3A_335, %swap3A_336], %swap3A_339 {add = true, strides = array<i32>} : memref<45x16xf32, #tpu.memory_space<vmem>>, vector<1x16xf32>,
      %mul3A_340 = arith.mulf %select_n3A_326, %get3A_287 : vector<16xf32>
      %swap3A_341 = arith.constant 31 : i32
      %swap3A_342 = arith.index_cast %swap3A_341 : i32 to index
      %swap3A_343 = arith.constant 0 : index
      %swap3A_344 = tpu.vector_load %arg7[%swap3A_342, %swap3A_343] {strides = array<i32>} : memref<45x16xf32, #tpu.memory_space<vmem>>, vector<1x16xf32>,
      %swap3A_345 = vector.shape_cast %swap3A_344 : vector<1x16xf32> to vector<16xf32>
      %swap3A_346 = vector.shape_cast %mul3A_340 : vector<16xf32> to vector<1x16xf32>
      tpu.vector_store %arg7[%swap3A_342, %swap3A_343], %swap3A_346 {add = true, strides = array<i32>} : memref<45x16xf32, #tpu.memory_space<vmem>>, vector<1x16xf32>,
      %gt3A_347 = arith.constant 0.13333334 : f32
      %gt3A_348 = vector.broadcast %gt3A_347 : f32 to vector<16xf32>
      %gt3A_349 = arith.cmpf ogt, %get3A_282, %gt3A_348 : vector<16xf32>
      %le3A_350 = arith.constant 2.000000e-01 : f32
      %le3A_351 = vector.broadcast %le3A_350 : f32 to vector<16xf32>
      %le3A_352 = arith.cmpf ole, %get3A_282, %le3A_351 : vector<16xf32>
      %and3A_353 = arith.andi %gt3A_349, %le3A_352 : vector<16xi1>
      %jit3A_354 = arith.constant 1.000000e+00 : f32
      %jit3A_355 = arith.constant 0.000000e+00 : f32
      %broadcast_in_dim3A_356 = vector.broadcast %jit3A_354 : f32 to vector<16xf32>
      %broadcast_in_dim3A_357 = vector.broadcast %jit3A_355 : f32 to vector<16xf32>
      %select_n3A_358 = arith.select %and3A_353, %broadcast_in_dim3A_356, %broadcast_in_dim3A_357 : vector<16xi1>, vector<16xf32>
      %swap3A_359 = arith.constant 2 : i32
      %swap3A_360 = arith.index_cast %swap3A_359 : i32 to index
      %swap3A_361 = arith.constant 0 : index
      %swap3A_362 = tpu.vector_load %arg7[%swap3A_360, %swap3A_361] {strides = array<i32>} : memref<45x16xf32, #tpu.memory_space<vmem>>, vector<1x16xf32>,
      %swap3A_363 = vector.shape_cast %swap3A_362 : vector<1x16xf32> to vector<16xf32>
      %swap3A_364 = vector.shape_cast %select_n3A_358 : vector<16xf32> to vector<1x16xf32>
      tpu.vector_store %arg7[%swap3A_360, %swap3A_361], %swap3A_364 {add = true, strides = array<i32>} : memref<45x16xf32, #tpu.memory_space<vmem>>, vector<1x16xf32>,
      %mul3A_365 = arith.mulf %select_n3A_358, %get3A_282 : vector<16xf32>
      %swap3A_366 = arith.constant 17 : i32
      %swap3A_367 = arith.index_cast %swap3A_366 : i32 to index
      %swap3A_368 = arith.constant 0 : index
      %swap3A_369 = tpu.vector_load %arg7[%swap3A_367, %swap3A_368] {strides = array<i32>} : memref<45x16xf32, #tpu.memory_space<vmem>>, vector<1x16xf32>,
      %swap3A_370 = vector.shape_cast %swap3A_369 : vector<1x16xf32> to vector<16xf32>
      %swap3A_371 = vector.shape_cast %mul3A_365 : vector<16xf32> to vector<1x16xf32>
      tpu.vector_store %arg7[%swap3A_367, %swap3A_368], %swap3A_371 {add = true, strides = array<i32>} : memref<45x16xf32, #tpu.memory_space<vmem>>, vector<1x16xf32>,
      %mul3A_372 = arith.mulf %select_n3A_358, %get3A_287 : vector<16xf32>
      %swap3A_373 = arith.constant 32 : i32
      %swap3A_374 = arith.index_cast %swap3A_373 : i32 to index
      %swap3A_375 = arith.constant 0 : index
      %swap3A_376 = tpu.vector_load %arg7[%swap3A_374, %swap3A_375] {strides = array<i32>} : memref<45x16xf32, #tpu.memory_space<vmem>>, vector<1x16xf32>,
      %swap3A_377 = vector.shape_cast %swap3A_376 : vector<1x16xf32> to vector<16xf32>
      %swap3A_378 = vector.shape_cast %mul3A_372 : vector<16xf32> to vector<1x16xf32>
      tpu.vector_store %arg7[%swap3A_374, %swap3A_375], %swap3A_378 {add = true, strides = array<i32>} : memref<45x16xf32, #tpu.memory_space<vmem>>, vector<1x16xf32>,
      %gt3A_379 = arith.constant 2.000000e-01 : f32
      %gt3A_380 = vector.broadcast %gt3A_379 : f32 to vector<16xf32>
      %gt3A_381 = arith.cmpf ogt, %get3A_282, %gt3A_380 : vector<16xf32>
      %le3A_382 = arith.constant 0.266666681 : f32
      %le3A_383 = vector.broadcast %le3A_382 : f32 to vector<16xf32>
      %le3A_384 = arith.cmpf ole, %get3A_282, %le3A_383 : vector<16xf32>
      %and3A_385 = arith.andi %gt3A_381, %le3A_384 : vector<16xi1>
      %jit3A_386 = arith.constant 1.000000e+00 : f32
      %jit3A_387 = arith.constant 0.000000e+00 : f32
      %broadcast_in_dim3A_388 = vector.broadcast %jit3A_386 : f32 to vector<16xf32>
      %broadcast_in_dim3A_389 = vector.broadcast %jit3A_387 : f32 to vector<16xf32>
      %select_n3A_390 = arith.select %and3A_385, %broadcast_in_dim3A_388, %broadcast_in_dim3A_389 : vector<16xi1>, vector<16xf32>
      %swap3A_391 = arith.constant 3 : i32
      %swap3A_392 = arith.index_cast %swap3A_391 : i32 to index
      %swap3A_393 = arith.constant 0 : index
      %swap3A_394 = tpu.vector_load %arg7[%swap3A_392, %swap3A_393] {strides = array<i32>} : memref<45x16xf32, #tpu.memory_space<vmem>>, vector<1x16xf32>,
      %swap3A_395 = vector.shape_cast %swap3A_394 : vector<1x16xf32> to vector<16xf32>
      %swap3A_396 = vector.shape_cast %select_n3A_390 : vector<16xf32> to vector<1x16xf32>
      tpu.vector_store %arg7[%swap3A_392, %swap3A_393], %swap3A_396 {add = true, strides = array<i32>} : memref<45x16xf32, #tpu.memory_space<vmem>>, vector<1x16xf32>,
      %mul3A_397 = arith.mulf %select_n3A_390, %get3A_282 : vector<16xf32>
      %swap3A_398 = arith.constant 18 : i32
      %swap3A_399 = arith.index_cast %swap3A_398 : i32 to index
      %swap3A_400 = arith.constant 0 : index
      %swap3A_401 = tpu.vector_load %arg7[%swap3A_399, %swap3A_400] {strides = array<i32>} : memref<45x16xf32, #tpu.memory_space<vmem>>, vector<1x16xf32>,
      %swap3A_402 = vector.shape_cast %swap3A_401 : vector<1x16xf32> to vector<16xf32>
      %swap3A_403 = vector.shape_cast %mul3A_397 : vector<16xf32> to vector<1x16xf32>
      tpu.vector_store %arg7[%swap3A_399, %swap3A_400], %swap3A_403 {add = true, strides = array<i32>} : memref<45x16xf32, #tpu.memory_space<vmem>>, vector<1x16xf32>,
      %mul3A_404 = arith.mulf %select_n3A_390, %get3A_287 : vector<16xf32>
      %swap3A_405 = arith.constant 33 : i32
      %swap3A_406 = arith.index_cast %swap3A_405 : i32 to index
      %swap3A_407 = arith.constant 0 : index
      %swap3A_408 = tpu.vector_load %arg7[%swap3A_406, %swap3A_407] {strides = array<i32>} : memref<45x16xf32, #tpu.memory_space<vmem>>, vector<1x16xf32>,
      %swap3A_409 = vector.shape_cast %swap3A_408 : vector<1x16xf32> to vector<16xf32>
      %swap3A_410 = vector.shape_cast %mul3A_404 : vector<16xf32> to vector<1x16xf32>
      tpu.vector_store %arg7[%swap3A_406, %swap3A_407], %swap3A_410 {add = true, strides = array<i32>} : memref<45x16xf32, #tpu.memory_space<vmem>>, vector<1x16xf32>,
      %gt3A_411 = arith.constant 0.266666681 : f32
      %gt3A_412 = vector.broadcast %gt3A_411 : f32 to vector<16xf32>
      %gt3A_413 = arith.cmpf ogt, %get3A_282, %gt3A_412 : vector<16xf32>
      %le3A_414 = arith.constant 0.333333343 : f32
      %le3A_415 = vector.broadcast %le3A_414 : f32 to vector<16xf32>
      %le3A_416 = arith.cmpf ole, %get3A_282, %le3A_415 : vector<16xf32>
      %and3A_417 = arith.andi %gt3A_413, %le3A_416 : vector<16xi1>
      %jit3A_418 = arith.constant 1.000000e+00 : f32
      %jit3A_419 = arith.constant 0.000000e+00 : f32
      %broadcast_in_dim3A_420 = vector.broadcast %jit3A_418 : f32 to vector<16xf32>
      %broadcast_in_dim3A_421 = vector.broadcast %jit3A_419 : f32 to vector<16xf32>
      %select_n3A_422 = arith.select %and3A_417, %broadcast_in_dim3A_420, %broadcast_in_dim3A_421 : vector<16xi1>, vector<16xf32>
      %swap3A_423 = arith.constant 4 : i32
      %swap3A_424 = arith.index_cast %swap3A_423 : i32 to index
      %swap3A_425 = arith.constant 0 : index
      %swap3A_426 = tpu.vector_load %arg7[%swap3A_424, %swap3A_425] {strides = array<i32>} : memref<45x16xf32, #tpu.memory_space<vmem>>, vector<1x16xf32>,
      %swap3A_427 = vector.shape_cast %swap3A_426 : vector<1x16xf32> to vector<16xf32>
      %swap3A_428 = vector.shape_cast %select_n3A_422 : vector<16xf32> to vector<1x16xf32>
      tpu.vector_store %arg7[%swap3A_424, %swap3A_425], %swap3A_428 {add = true, strides = array<i32>} : memref<45x16xf32, #tpu.memory_space<vmem>>, vector<1x16xf32>,
      %mul3A_429 = arith.mulf %select_n3A_422, %get3A_282 : vector<16xf32>
      %swap3A_430 = arith.constant 19 : i32
      %swap3A_431 = arith.index_cast %swap3A_430 : i32 to index
      %swap3A_432 = arith.constant 0 : index
      %swap3A_433 = tpu.vector_load %arg7[%swap3A_431, %swap3A_432] {strides = array<i32>} : memref<45x16xf32, #tpu.memory_space<vmem>>, vector<1x16xf32>,
      %swap3A_434 = vector.shape_cast %swap3A_433 : vector<1x16xf32> to vector<16xf32>
      %swap3A_435 = vector.shape_cast %mul3A_429 : vector<16xf32> to vector<1x16xf32>
      tpu.vector_store %arg7[%swap3A_431, %swap3A_432], %swap3A_435 {add = true, strides = array<i32>} : memref<45x16xf32, #tpu.memory_space<vmem>>, vector<1x16xf32>,
      %mul3A_436 = arith.mulf %select_n3A_422, %get3A_287 : vector<16xf32>
      %swap3A_437 = arith.constant 34 : i32
      %swap3A_438 = arith.index_cast %swap3A_437 : i32 to index
      %swap3A_439 = arith.constant 0 : index
      %swap3A_440 = tpu.vector_load %arg7[%swap3A_438, %swap3A_439] {strides = array<i32>} : memref<45x16xf32, #tpu.memory_space<vmem>>, vector<1x16xf32>,
      %swap3A_441 = vector.shape_cast %swap3A_440 : vector<1x16xf32> to vector<16xf32>
      %swap3A_442 = vector.shape_cast %mul3A_436 : vector<16xf32> to vector<1x16xf32>
      tpu.vector_store %arg7[%swap3A_438, %swap3A_439], %swap3A_442 {add = true, strides = array<i32>} : memref<45x16xf32, #tpu.memory_space<vmem>>, vector<1x16xf32>,
      %gt3A_443 = arith.constant 0.333333343 : f32
      %gt3A_444 = vector.broadcast %gt3A_443 : f32 to vector<16xf32>
      %gt3A_445 = arith.cmpf ogt, %get3A_282, %gt3A_444 : vector<16xf32>
      %le3A_446 = arith.constant 4.000000e-01 : f32
      %le3A_447 = vector.broadcast %le3A_446 : f32 to vector<16xf32>
      %le3A_448 = arith.cmpf ole, %get3A_282, %le3A_447 : vector<16xf32>
      %and3A_449 = arith.andi %gt3A_445, %le3A_448 : vector<16xi1>
      %jit3A_450 = arith.constant 1.000000e+00 : f32
      %jit3A_451 = arith.constant 0.000000e+00 : f32
      %broadcast_in_dim3A_452 = vector.broadcast %jit3A_450 : f32 to vector<16xf32>
      %broadcast_in_dim3A_453 = vector.broadcast %jit3A_451 : f32 to vector<16xf32>
      %select_n3A_454 = arith.select %and3A_449, %broadcast_in_dim3A_452, %broadcast_in_dim3A_453 : vector<16xi1>, vector<16xf32>
      %swap3A_455 = arith.constant 5 : i32
      %swap3A_456 = arith.index_cast %swap3A_455 : i32 to index
      %swap3A_457 = arith.constant 0 : index
      %swap3A_458 = tpu.vector_load %arg7[%swap3A_456, %swap3A_457] {strides = array<i32>} : memref<45x16xf32, #tpu.memory_space<vmem>>, vector<1x16xf32>,
      %swap3A_459 = vector.shape_cast %swap3A_458 : vector<1x16xf32> to vector<16xf32>
      %swap3A_460 = vector.shape_cast %select_n3A_454 : vector<16xf32> to vector<1x16xf32>
      tpu.vector_store %arg7[%swap3A_456, %swap3A_457], %swap3A_460 {add = true, strides = array<i32>} : memref<45x16xf32, #tpu.memory_space<vmem>>, vector<1x16xf32>,
      %mul3A_461 = arith.mulf %select_n3A_454, %get3A_282 : vector<16xf32>
      %swap3A_462 = arith.constant 20 : i32
      %swap3A_463 = arith.index_cast %swap3A_462 : i32 to index
      %swap3A_464 = arith.constant 0 : index
      %swap3A_465 = tpu.vector_load %arg7[%swap3A_463, %swap3A_464] {strides = array<i32>} : memref<45x16xf32, #tpu.memory_space<vmem>>, vector<1x16xf32>,
      %swap3A_466 = vector.shape_cast %swap3A_465 : vector<1x16xf32> to vector<16xf32>
      %swap3A_467 = vector.shape_cast %mul3A_461 : vector<16xf32> to vector<1x16xf32>
      tpu.vector_store %arg7[%swap3A_463, %swap3A_464], %swap3A_467 {add = true, strides = array<i32>} : memref<45x16xf32, #tpu.memory_space<vmem>>, vector<1x16xf32>,
      %mul3A_468 = arith.mulf %select_n3A_454, %get3A_287 : vector<16xf32>
      %swap3A_469 = arith.constant 35 : i32
      %swap3A_470 = arith.index_cast %swap3A_469 : i32 to index
      %swap3A_471 = arith.constant 0 : index
      %swap3A_472 = tpu.vector_load %arg7[%swap3A_470, %swap3A_471] {strides = array<i32>} : memref<45x16xf32, #tpu.memory_space<vmem>>, vector<1x16xf32>,
      %swap3A_473 = vector.shape_cast %swap3A_472 : vector<1x16xf32> to vector<16xf32>
      %swap3A_474 = vector.shape_cast %mul3A_468 : vector<16xf32> to vector<1x16xf32>
      tpu.vector_store %arg7[%swap3A_470, %swap3A_471], %swap3A_474 {add = true, strides = array<i32>} : memref<45x16xf32, #tpu.memory_space<vmem>>, vector<1x16xf32>,
      %gt3A_475 = arith.constant 4.000000e-01 : f32
      %gt3A_476 = vector.broadcast %gt3A_475 : f32 to vector<16xf32>
      %gt3A_477 = arith.cmpf ogt, %get3A_282, %gt3A_476 : vector<16xf32>
      %le3A_478 = arith.constant 0.466666669 : f32
      %le3A_479 = vector.broadcast %le3A_478 : f32 to vector<16xf32>
      %le3A_480 = arith.cmpf ole, %get3A_282, %le3A_479 : vector<16xf32>
      %and3A_481 = arith.andi %gt3A_477, %le3A_480 : vector<16xi1>
      %jit3A_482 = arith.constant 1.000000e+00 : f32
      %jit3A_483 = arith.constant 0.000000e+00 : f32
      %broadcast_in_dim3A_484 = vector.broadcast %jit3A_482 : f32 to vector<16xf32>
      %broadcast_in_dim3A_485 = vector.broadcast %jit3A_483 : f32 to vector<16xf32>
      %select_n3A_486 = arith.select %and3A_481, %broadcast_in_dim3A_484, %broadcast_in_dim3A_485 : vector<16xi1>, vector<16xf32>
      %swap3A_487 = arith.constant 6 : i32
      %swap3A_488 = arith.index_cast %swap3A_487 : i32 to index
      %swap3A_489 = arith.constant 0 : index
      %swap3A_490 = tpu.vector_load %arg7[%swap3A_488, %swap3A_489] {strides = array<i32>} : memref<45x16xf32, #tpu.memory_space<vmem>>, vector<1x16xf32>,
      %swap3A_491 = vector.shape_cast %swap3A_490 : vector<1x16xf32> to vector<16xf32>
      %swap3A_492 = vector.shape_cast %select_n3A_486 : vector<16xf32> to vector<1x16xf32>
      tpu.vector_store %arg7[%swap3A_488, %swap3A_489], %swap3A_492 {add = true, strides = array<i32>} : memref<45x16xf32, #tpu.memory_space<vmem>>, vector<1x16xf32>,
      %mul3A_493 = arith.mulf %select_n3A_486, %get3A_282 : vector<16xf32>
      %swap3A_494 = arith.constant 21 : i32
      %swap3A_495 = arith.index_cast %swap3A_494 : i32 to index
      %swap3A_496 = arith.constant 0 : index
      %swap3A_497 = tpu.vector_load %arg7[%swap3A_495, %swap3A_496] {strides = array<i32>} : memref<45x16xf32, #tpu.memory_space<vmem>>, vector<1x16xf32>,
      %swap3A_498 = vector.shape_cast %swap3A_497 : vector<1x16xf32> to vector<16xf32>
      %swap3A_499 = vector.shape_cast %mul3A_493 : vector<16xf32> to vector<1x16xf32>
      tpu.vector_store %arg7[%swap3A_495, %swap3A_496], %swap3A_499 {add = true, strides = array<i32>} : memref<45x16xf32, #tpu.memory_space<vmem>>, vector<1x16xf32>,
      %mul3A_500 = arith.mulf %select_n3A_486, %get3A_287 : vector<16xf32>
      %swap3A_501 = arith.constant 36 : i32
      %swap3A_502 = arith.index_cast %swap3A_501 : i32 to index
      %swap3A_503 = arith.constant 0 : index
      %swap3A_504 = tpu.vector_load %arg7[%swap3A_502, %swap3A_503] {strides = array<i32>} : memref<45x16xf32, #tpu.memory_space<vmem>>, vector<1x16xf32>,
      %swap3A_505 = vector.shape_cast %swap3A_504 : vector<1x16xf32> to vector<16xf32>
      %swap3A_506 = vector.shape_cast %mul3A_500 : vector<16xf32> to vector<1x16xf32>
      tpu.vector_store %arg7[%swap3A_502, %swap3A_503], %swap3A_506 {add = true, strides = array<i32>} : memref<45x16xf32, #tpu.memory_space<vmem>>, vector<1x16xf32>,
      %gt3A_507 = arith.constant 0.466666669 : f32
      %gt3A_508 = vector.broadcast %gt3A_507 : f32 to vector<16xf32>
      %gt3A_509 = arith.cmpf ogt, %get3A_282, %gt3A_508 : vector<16xf32>
      %le3A_510 = arith.constant 0.533333361 : f32
      %le3A_511 = vector.broadcast %le3A_510 : f32 to vector<16xf32>
      %le3A_512 = arith.cmpf ole, %get3A_282, %le3A_511 : vector<16xf32>
      %and3A_513 = arith.andi %gt3A_509, %le3A_512 : vector<16xi1>
      %jit3A_514 = arith.constant 1.000000e+00 : f32
      %jit3A_515 = arith.constant 0.000000e+00 : f32
      %broadcast_in_dim3A_516 = vector.broadcast %jit3A_514 : f32 to vector<16xf32>
      %broadcast_in_dim3A_517 = vector.broadcast %jit3A_515 : f32 to vector<16xf32>
      %select_n3A_518 = arith.select %and3A_513, %broadcast_in_dim3A_516, %broadcast_in_dim3A_517 : vector<16xi1>, vector<16xf32>
      %swap3A_519 = arith.constant 7 : i32
      %swap3A_520 = arith.index_cast %swap3A_519 : i32 to index
      %swap3A_521 = arith.constant 0 : index
      %swap3A_522 = tpu.vector_load %arg7[%swap3A_520, %swap3A_521] {strides = array<i32>} : memref<45x16xf32, #tpu.memory_space<vmem>>, vector<1x16xf32>,
      %swap3A_523 = vector.shape_cast %swap3A_522 : vector<1x16xf32> to vector<16xf32>
      %swap3A_524 = vector.shape_cast %select_n3A_518 : vector<16xf32> to vector<1x16xf32>
      tpu.vector_store %arg7[%swap3A_520, %swap3A_521], %swap3A_524 {add = true, strides = array<i32>} : memref<45x16xf32, #tpu.memory_space<vmem>>, vector<1x16xf32>,
      %mul3A_525 = arith.mulf %select_n3A_518, %get3A_282 : vector<16xf32>
      %swap3A_526 = arith.constant 22 : i32
      %swap3A_527 = arith.index_cast %swap3A_526 : i32 to index
      %swap3A_528 = arith.constant 0 : index
      %swap3A_529 = tpu.vector_load %arg7[%swap3A_527, %swap3A_528] {strides = array<i32>} : memref<45x16xf32, #tpu.memory_space<vmem>>, vector<1x16xf32>,
      %swap3A_530 = vector.shape_cast %swap3A_529 : vector<1x16xf32> to vector<16xf32>
      %swap3A_531 = vector.shape_cast %mul3A_525 : vector<16xf32> to vector<1x16xf32>
      tpu.vector_store %arg7[%swap3A_527, %swap3A_528], %swap3A_531 {add = true, strides = array<i32>} : memref<45x16xf32, #tpu.memory_space<vmem>>, vector<1x16xf32>,
      %mul3A_532 = arith.mulf %select_n3A_518, %get3A_287 : vector<16xf32>
      %swap3A_533 = arith.constant 37 : i32
      %swap3A_534 = arith.index_cast %swap3A_533 : i32 to index
      %swap3A_535 = arith.constant 0 : index
      %swap3A_536 = tpu.vector_load %arg7[%swap3A_534, %swap3A_535] {strides = array<i32>} : memref<45x16xf32, #tpu.memory_space<vmem>>, vector<1x16xf32>,
      %swap3A_537 = vector.shape_cast %swap3A_536 : vector<1x16xf32> to vector<16xf32>
      %swap3A_538 = vector.shape_cast %mul3A_532 : vector<16xf32> to vector<1x16xf32>
      tpu.vector_store %arg7[%swap3A_534, %swap3A_535], %swap3A_538 {add = true, strides = array<i32>} : memref<45x16xf32, #tpu.memory_space<vmem>>, vector<1x16xf32>,
      %gt3A_539 = arith.constant 0.533333361 : f32
      %gt3A_540 = vector.broadcast %gt3A_539 : f32 to vector<16xf32>
      %gt3A_541 = arith.cmpf ogt, %get3A_282, %gt3A_540 : vector<16xf32>
      %le3A_542 = arith.constant 6.000000e-01 : f32
      %le3A_543 = vector.broadcast %le3A_542 : f32 to vector<16xf32>
      %le3A_544 = arith.cmpf ole, %get3A_282, %le3A_543 : vector<16xf32>
      %and3A_545 = arith.andi %gt3A_541, %le3A_544 : vector<16xi1>
      %jit3A_546 = arith.constant 1.000000e+00 : f32
      %jit3A_547 = arith.constant 0.000000e+00 : f32
      %broadcast_in_dim3A_548 = vector.broadcast %jit3A_546 : f32 to vector<16xf32>
      %broadcast_in_dim3A_549 = vector.broadcast %jit3A_547 : f32 to vector<16xf32>
      %select_n3A_550 = arith.select %and3A_545, %broadcast_in_dim3A_548, %broadcast_in_dim3A_549 : vector<16xi1>, vector<16xf32>
      %swap3A_551 = arith.constant 8 : i32
      %swap3A_552 = arith.index_cast %swap3A_551 : i32 to index
      %swap3A_553 = arith.constant 0 : index
      %swap3A_554 = tpu.vector_load %arg7[%swap3A_552, %swap3A_553] {strides = array<i32>} : memref<45x16xf32, #tpu.memory_space<vmem>>, vector<1x16xf32>,
      %swap3A_555 = vector.shape_cast %swap3A_554 : vector<1x16xf32> to vector<16xf32>
      %swap3A_556 = vector.shape_cast %select_n3A_550 : vector<16xf32> to vector<1x16xf32>
      tpu.vector_store %arg7[%swap3A_552, %swap3A_553], %swap3A_556 {add = true, strides = array<i32>} : memref<45x16xf32, #tpu.memory_space<vmem>>, vector<1x16xf32>,
      %mul3A_557 = arith.mulf %select_n3A_550, %get3A_282 : vector<16xf32>
      %swap3A_558 = arith.constant 23 : i32
      %swap3A_559 = arith.index_cast %swap3A_558 : i32 to index
      %swap3A_560 = arith.constant 0 : index
      %swap3A_561 = tpu.vector_load %arg7[%swap3A_559, %swap3A_560] {strides = array<i32>} : memref<45x16xf32, #tpu.memory_space<vmem>>, vector<1x16xf32>,
      %swap3A_562 = vector.shape_cast %swap3A_561 : vector<1x16xf32> to vector<16xf32>
      %swap3A_563 = vector.shape_cast %mul3A_557 : vector<16xf32> to vector<1x16xf32>
      tpu.vector_store %arg7[%swap3A_559, %swap3A_560], %swap3A_563 {add = true, strides = array<i32>} : memref<45x16xf32, #tpu.memory_space<vmem>>, vector<1x16xf32>,
      %mul3A_564 = arith.mulf %select_n3A_550, %get3A_287 : vector<16xf32>
      %swap3A_565 = arith.constant 38 : i32
      %swap3A_566 = arith.index_cast %swap3A_565 : i32 to index
      %swap3A_567 = arith.constant 0 : index
      %swap3A_568 = tpu.vector_load %arg7[%swap3A_566, %swap3A_567] {strides = array<i32>} : memref<45x16xf32, #tpu.memory_space<vmem>>, vector<1x16xf32>,
      %swap3A_569 = vector.shape_cast %swap3A_568 : vector<1x16xf32> to vector<16xf32>
      %swap3A_570 = vector.shape_cast %mul3A_564 : vector<16xf32> to vector<1x16xf32>
      tpu.vector_store %arg7[%swap3A_566, %swap3A_567], %swap3A_570 {add = true, strides = array<i32>} : memref<45x16xf32, #tpu.memory_space<vmem>>, vector<1x16xf32>,
      %gt3A_571 = arith.constant 6.000000e-01 : f32
      %gt3A_572 = vector.broadcast %gt3A_571 : f32 to vector<16xf32>
      %gt3A_573 = arith.cmpf ogt, %get3A_282, %gt3A_572 : vector<16xf32>
      %le3A_574 = arith.constant 0.666666686 : f32
      %le3A_575 = vector.broadcast %le3A_574 : f32 to vector<16xf32>
      %le3A_576 = arith.cmpf ole, %get3A_282, %le3A_575 : vector<16xf32>
      %and3A_577 = arith.andi %gt3A_573, %le3A_576 : vector<16xi1>
      %jit3A_578 = arith.constant 1.000000e+00 : f32
      %jit3A_579 = arith.constant 0.000000e+00 : f32
      %broadcast_in_dim3A_580 = vector.broadcast %jit3A_578 : f32 to vector<16xf32>
      %broadcast_in_dim3A_581 = vector.broadcast %jit3A_579 : f32 to vector<16xf32>
      %select_n3A_582 = arith.select %and3A_577, %broadcast_in_dim3A_580, %broadcast_in_dim3A_581 : vector<16xi1>, vector<16xf32>
      %swap3A_583 = arith.constant 9 : i32
      %swap3A_584 = arith.index_cast %swap3A_583 : i32 to index
      %swap3A_585 = arith.constant 0 : index
      %swap3A_586 = tpu.vector_load %arg7[%swap3A_584, %swap3A_585] {strides = array<i32>} : memref<45x16xf32, #tpu.memory_space<vmem>>, vector<1x16xf32>,
      %swap3A_587 = vector.shape_cast %swap3A_586 : vector<1x16xf32> to vector<16xf32>
      %swap3A_588 = vector.shape_cast %select_n3A_582 : vector<16xf32> to vector<1x16xf32>
      tpu.vector_store %arg7[%swap3A_584, %swap3A_585], %swap3A_588 {add = true, strides = array<i32>} : memref<45x16xf32, #tpu.memory_space<vmem>>, vector<1x16xf32>,
      %mul3A_589 = arith.mulf %select_n3A_582, %get3A_282 : vector<16xf32>
      %swap3A_590 = arith.constant 24 : i32
      %swap3A_591 = arith.index_cast %swap3A_590 : i32 to index
      %swap3A_592 = arith.constant 0 : index
      %swap3A_593 = tpu.vector_load %arg7[%swap3A_591, %swap3A_592] {strides = array<i32>} : memref<45x16xf32, #tpu.memory_space<vmem>>, vector<1x16xf32>,
      %swap3A_594 = vector.shape_cast %swap3A_593 : vector<1x16xf32> to vector<16xf32>
      %swap3A_595 = vector.shape_cast %mul3A_589 : vector<16xf32> to vector<1x16xf32>
      tpu.vector_store %arg7[%swap3A_591, %swap3A_592], %swap3A_595 {add = true, strides = array<i32>} : memref<45x16xf32, #tpu.memory_space<vmem>>, vector<1x16xf32>,
      %mul3A_596 = arith.mulf %select_n3A_582, %get3A_287 : vector<16xf32>
      %swap3A_597 = arith.constant 39 : i32
      %swap3A_598 = arith.index_cast %swap3A_597 : i32 to index
      %swap3A_599 = arith.constant 0 : index
      %swap3A_600 = tpu.vector_load %arg7[%swap3A_598, %swap3A_599] {strides = array<i32>} : memref<45x16xf32, #tpu.memory_space<vmem>>, vector<1x16xf32>,
      %swap3A_601 = vector.shape_cast %swap3A_600 : vector<1x16xf32> to vector<16xf32>
      %swap3A_602 = vector.shape_cast %mul3A_596 : vector<16xf32> to vector<1x16xf32>
      tpu.vector_store %arg7[%swap3A_598, %swap3A_599], %swap3A_602 {add = true, strides = array<i32>} : memref<45x16xf32, #tpu.memory_space<vmem>>, vector<1x16xf32>,
      %gt3A_603 = arith.constant 0.666666686 : f32
      %gt3A_604 = vector.broadcast %gt3A_603 : f32 to vector<16xf32>
      %gt3A_605 = arith.cmpf ogt, %get3A_282, %gt3A_604 : vector<16xf32>
      %le3A_606 = arith.constant 0.733333349 : f32
      %le3A_607 = vector.broadcast %le3A_606 : f32 to vector<16xf32>
      %le3A_608 = arith.cmpf ole, %get3A_282, %le3A_607 : vector<16xf32>
      %and3A_609 = arith.andi %gt3A_605, %le3A_608 : vector<16xi1>
      %jit3A_610 = arith.constant 1.000000e+00 : f32
      %jit3A_611 = arith.constant 0.000000e+00 : f32
      %broadcast_in_dim3A_612 = vector.broadcast %jit3A_610 : f32 to vector<16xf32>
      %broadcast_in_dim3A_613 = vector.broadcast %jit3A_611 : f32 to vector<16xf32>
      %select_n3A_614 = arith.select %and3A_609, %broadcast_in_dim3A_612, %broadcast_in_dim3A_613 : vector<16xi1>, vector<16xf32>
      %swap3A_615 = arith.constant 10 : i32
      %swap3A_616 = arith.index_cast %swap3A_615 : i32 to index
      %swap3A_617 = arith.constant 0 : index
      %swap3A_618 = tpu.vector_load %arg7[%swap3A_616, %swap3A_617] {strides = array<i32>} : memref<45x16xf32, #tpu.memory_space<vmem>>, vector<1x16xf32>,
      %swap3A_619 = vector.shape_cast %swap3A_618 : vector<1x16xf32> to vector<16xf32>
      %swap3A_620 = vector.shape_cast %select_n3A_614 : vector<16xf32> to vector<1x16xf32>
      tpu.vector_store %arg7[%swap3A_616, %swap3A_617], %swap3A_620 {add = true, strides = array<i32>} : memref<45x16xf32, #tpu.memory_space<vmem>>, vector<1x16xf32>,
      %mul3A_621 = arith.mulf %select_n3A_614, %get3A_282 : vector<16xf32>
      %swap3A_622 = arith.constant 25 : i32
      %swap3A_623 = arith.index_cast %swap3A_622 : i32 to index
      %swap3A_624 = arith.constant 0 : index
      %swap3A_625 = tpu.vector_load %arg7[%swap3A_623, %swap3A_624] {strides = array<i32>} : memref<45x16xf32, #tpu.memory_space<vmem>>, vector<1x16xf32>,
      %swap3A_626 = vector.shape_cast %swap3A_625 : vector<1x16xf32> to vector<16xf32>
      %swap3A_627 = vector.shape_cast %mul3A_621 : vector<16xf32> to vector<1x16xf32>
      tpu.vector_store %arg7[%swap3A_623, %swap3A_624], %swap3A_627 {add = true, strides = array<i32>} : memref<45x16xf32, #tpu.memory_space<vmem>>, vector<1x16xf32>,
      %mul3A_628 = arith.mulf %select_n3A_614, %get3A_287 : vector<16xf32>
      %swap3A_629 = arith.constant 40 : i32
      %swap3A_630 = arith.index_cast %swap3A_629 : i32 to index
      %swap3A_631 = arith.constant 0 : index
      %swap3A_632 = tpu.vector_load %arg7[%swap3A_630, %swap3A_631] {strides = array<i32>} : memref<45x16xf32, #tpu.memory_space<vmem>>, vector<1x16xf32>,
      %swap3A_633 = vector.shape_cast %swap3A_632 : vector<1x16xf32> to vector<16xf32>
      %swap3A_634 = vector.shape_cast %mul3A_628 : vector<16xf32> to vector<1x16xf32>
      tpu.vector_store %arg7[%swap3A_630, %swap3A_631], %swap3A_634 {add = true, strides = array<i32>} : memref<45x16xf32, #tpu.memory_space<vmem>>, vector<1x16xf32>,
      %gt3A_635 = arith.constant 0.733333349 : f32
      %gt3A_636 = vector.broadcast %gt3A_635 : f32 to vector<16xf32>
      %gt3A_637 = arith.cmpf ogt, %get3A_282, %gt3A_636 : vector<16xf32>
      %le3A_638 = arith.constant 8.000000e-01 : f32
      %le3A_639 = vector.broadcast %le3A_638 : f32 to vector<16xf32>
      %le3A_640 = arith.cmpf ole, %get3A_282, %le3A_639 : vector<16xf32>
      %and3A_641 = arith.andi %gt3A_637, %le3A_640 : vector<16xi1>
      %jit3A_642 = arith.constant 1.000000e+00 : f32
      %jit3A_643 = arith.constant 0.000000e+00 : f32
      %broadcast_in_dim3A_644 = vector.broadcast %jit3A_642 : f32 to vector<16xf32>
      %broadcast_in_dim3A_645 = vector.broadcast %jit3A_643 : f32 to vector<16xf32>
      %select_n3A_646 = arith.select %and3A_641, %broadcast_in_dim3A_644, %broadcast_in_dim3A_645 : vector<16xi1>, vector<16xf32>
      %swap3A_647 = arith.constant 11 : i32
      %swap3A_648 = arith.index_cast %swap3A_647 : i32 to index
      %swap3A_649 = arith.constant 0 : index
      %swap3A_650 = tpu.vector_load %arg7[%swap3A_648, %swap3A_649] {strides = array<i32>} : memref<45x16xf32, #tpu.memory_space<vmem>>, vector<1x16xf32>,
      %swap3A_651 = vector.shape_cast %swap3A_650 : vector<1x16xf32> to vector<16xf32>
      %swap3A_652 = vector.shape_cast %select_n3A_646 : vector<16xf32> to vector<1x16xf32>
      tpu.vector_store %arg7[%swap3A_648, %swap3A_649], %swap3A_652 {add = true, strides = array<i32>} : memref<45x16xf32, #tpu.memory_space<vmem>>, vector<1x16xf32>,
      %mul3A_653 = arith.mulf %select_n3A_646, %get3A_282 : vector<16xf32>
      %swap3A_654 = arith.constant 26 : i32
      %swap3A_655 = arith.index_cast %swap3A_654 : i32 to index
      %swap3A_656 = arith.constant 0 : index
      %swap3A_657 = tpu.vector_load %arg7[%swap3A_655, %swap3A_656] {strides = array<i32>} : memref<45x16xf32, #tpu.memory_space<vmem>>, vector<1x16xf32>,
      %swap3A_658 = vector.shape_cast %swap3A_657 : vector<1x16xf32> to vector<16xf32>
      %swap3A_659 = vector.shape_cast %mul3A_653 : vector<16xf32> to vector<1x16xf32>
      tpu.vector_store %arg7[%swap3A_655, %swap3A_656], %swap3A_659 {add = true, strides = array<i32>} : memref<45x16xf32, #tpu.memory_space<vmem>>, vector<1x16xf32>,
      %mul3A_660 = arith.mulf %select_n3A_646, %get3A_287 : vector<16xf32>
      %swap3A_661 = arith.constant 41 : i32
      %swap3A_662 = arith.index_cast %swap3A_661 : i32 to index
      %swap3A_663 = arith.constant 0 : index
      %swap3A_664 = tpu.vector_load %arg7[%swap3A_662, %swap3A_663] {strides = array<i32>} : memref<45x16xf32, #tpu.memory_space<vmem>>, vector<1x16xf32>,
      %swap3A_665 = vector.shape_cast %swap3A_664 : vector<1x16xf32> to vector<16xf32>
      %swap3A_666 = vector.shape_cast %mul3A_660 : vector<16xf32> to vector<1x16xf32>
      tpu.vector_store %arg7[%swap3A_662, %swap3A_663], %swap3A_666 {add = true, strides = array<i32>} : memref<45x16xf32, #tpu.memory_space<vmem>>, vector<1x16xf32>,
      %gt3A_667 = arith.constant 8.000000e-01 : f32
      %gt3A_668 = vector.broadcast %gt3A_667 : f32 to vector<16xf32>
      %gt3A_669 = arith.cmpf ogt, %get3A_282, %gt3A_668 : vector<16xf32>
      %le3A_670 = arith.constant 0.866666674 : f32
      %le3A_671 = vector.broadcast %le3A_670 : f32 to vector<16xf32>
      %le3A_672 = arith.cmpf ole, %get3A_282, %le3A_671 : vector<16xf32>
      %and3A_673 = arith.andi %gt3A_669, %le3A_672 : vector<16xi1>
      %jit3A_674 = arith.constant 1.000000e+00 : f32
      %jit3A_675 = arith.constant 0.000000e+00 : f32
      %broadcast_in_dim3A_676 = vector.broadcast %jit3A_674 : f32 to vector<16xf32>
      %broadcast_in_dim3A_677 = vector.broadcast %jit3A_675 : f32 to vector<16xf32>
      %select_n3A_678 = arith.select %and3A_673, %broadcast_in_dim3A_676, %broadcast_in_dim3A_677 : vector<16xi1>, vector<16xf32>
      %swap3A_679 = arith.constant 12 : i32
      %swap3A_680 = arith.index_cast %swap3A_679 : i32 to index
      %swap3A_681 = arith.constant 0 : index
      %swap3A_682 = tpu.vector_load %arg7[%swap3A_680, %swap3A_681] {strides = array<i32>} : memref<45x16xf32, #tpu.memory_space<vmem>>, vector<1x16xf32>,
      %swap3A_683 = vector.shape_cast %swap3A_682 : vector<1x16xf32> to vector<16xf32>
      %swap3A_684 = vector.shape_cast %select_n3A_678 : vector<16xf32> to vector<1x16xf32>
      tpu.vector_store %arg7[%swap3A_680, %swap3A_681], %swap3A_684 {add = true, strides = array<i32>} : memref<45x16xf32, #tpu.memory_space<vmem>>, vector<1x16xf32>,
      %mul3A_685 = arith.mulf %select_n3A_678, %get3A_282 : vector<16xf32>
      %swap3A_686 = arith.constant 27 : i32
      %swap3A_687 = arith.index_cast %swap3A_686 : i32 to index
      %swap3A_688 = arith.constant 0 : index
      %swap3A_689 = tpu.vector_load %arg7[%swap3A_687, %swap3A_688] {strides = array<i32>} : memref<45x16xf32, #tpu.memory_space<vmem>>, vector<1x16xf32>,
      %swap3A_690 = vector.shape_cast %swap3A_689 : vector<1x16xf32> to vector<16xf32>
      %swap3A_691 = vector.shape_cast %mul3A_685 : vector<16xf32> to vector<1x16xf32>
      tpu.vector_store %arg7[%swap3A_687, %swap3A_688], %swap3A_691 {add = true, strides = array<i32>} : memref<45x16xf32, #tpu.memory_space<vmem>>, vector<1x16xf32>,
      %mul3A_692 = arith.mulf %select_n3A_678, %get3A_287 : vector<16xf32>
      %swap3A_693 = arith.constant 42 : i32
      %swap3A_694 = arith.index_cast %swap3A_693 : i32 to index
      %swap3A_695 = arith.constant 0 : index
      %swap3A_696 = tpu.vector_load %arg7[%swap3A_694, %swap3A_695] {strides = array<i32>} : memref<45x16xf32, #tpu.memory_space<vmem>>, vector<1x16xf32>,
      %swap3A_697 = vector.shape_cast %swap3A_696 : vector<1x16xf32> to vector<16xf32>
      %swap3A_698 = vector.shape_cast %mul3A_692 : vector<16xf32> to vector<1x16xf32>
      tpu.vector_store %arg7[%swap3A_694, %swap3A_695], %swap3A_698 {add = true, strides = array<i32>} : memref<45x16xf32, #tpu.memory_space<vmem>>, vector<1x16xf32>,
      %gt3A_699 = arith.constant 0.866666674 : f32
      %gt3A_700 = vector.broadcast %gt3A_699 : f32 to vector<16xf32>
      %gt3A_701 = arith.cmpf ogt, %get3A_282, %gt3A_700 : vector<16xf32>
      %le3A_702 = arith.constant 0.933333337 : f32
      %le3A_703 = vector.broadcast %le3A_702 : f32 to vector<16xf32>
      %le3A_704 = arith.cmpf ole, %get3A_282, %le3A_703 : vector<16xf32>
      %and3A_705 = arith.andi %gt3A_701, %le3A_704 : vector<16xi1>
      %jit3A_706 = arith.constant 1.000000e+00 : f32
      %jit3A_707 = arith.constant 0.000000e+00 : f32
      %broadcast_in_dim3A_708 = vector.broadcast %jit3A_706 : f32 to vector<16xf32>
      %broadcast_in_dim3A_709 = vector.broadcast %jit3A_707 : f32 to vector<16xf32>
      %select_n3A_710 = arith.select %and3A_705, %broadcast_in_dim3A_708, %broadcast_in_dim3A_709 : vector<16xi1>, vector<16xf32>
      %swap3A_711 = arith.constant 13 : i32
      %swap3A_712 = arith.index_cast %swap3A_711 : i32 to index
      %swap3A_713 = arith.constant 0 : index
      %swap3A_714 = tpu.vector_load %arg7[%swap3A_712, %swap3A_713] {strides = array<i32>} : memref<45x16xf32, #tpu.memory_space<vmem>>, vector<1x16xf32>,
      %swap3A_715 = vector.shape_cast %swap3A_714 : vector<1x16xf32> to vector<16xf32>
      %swap3A_716 = vector.shape_cast %select_n3A_710 : vector<16xf32> to vector<1x16xf32>
      tpu.vector_store %arg7[%swap3A_712, %swap3A_713], %swap3A_716 {add = true, strides = array<i32>} : memref<45x16xf32, #tpu.memory_space<vmem>>, vector<1x16xf32>,
      %mul3A_717 = arith.mulf %select_n3A_710, %get3A_282 : vector<16xf32>
      %swap3A_718 = arith.constant 28 : i32
      %swap3A_719 = arith.index_cast %swap3A_718 : i32 to index
      %swap3A_720 = arith.constant 0 : index
      %swap3A_721 = tpu.vector_load %arg7[%swap3A_719, %swap3A_720] {strides = array<i32>} : memref<45x16xf32, #tpu.memory_space<vmem>>, vector<1x16xf32>,
      %swap3A_722 = vector.shape_cast %swap3A_721 : vector<1x16xf32> to vector<16xf32>
      %swap3A_723 = vector.shape_cast %mul3A_717 : vector<16xf32> to vector<1x16xf32>
      tpu.vector_store %arg7[%swap3A_719, %swap3A_720], %swap3A_723 {add = true, strides = array<i32>} : memref<45x16xf32, #tpu.memory_space<vmem>>, vector<1x16xf32>,
      %mul3A_724 = arith.mulf %select_n3A_710, %get3A_287 : vector<16xf32>
      %swap3A_725 = arith.constant 43 : i32
      %swap3A_726 = arith.index_cast %swap3A_725 : i32 to index
      %swap3A_727 = arith.constant 0 : index
      %swap3A_728 = tpu.vector_load %arg7[%swap3A_726, %swap3A_727] {strides = array<i32>} : memref<45x16xf32, #tpu.memory_space<vmem>>, vector<1x16xf32>,
      %swap3A_729 = vector.shape_cast %swap3A_728 : vector<1x16xf32> to vector<16xf32>
      %swap3A_730 = vector.shape_cast %mul3A_724 : vector<16xf32> to vector<1x16xf32>
      tpu.vector_store %arg7[%swap3A_726, %swap3A_727], %swap3A_730 {add = true, strides = array<i32>} : memref<45x16xf32, #tpu.memory_space<vmem>>, vector<1x16xf32>,
      %gt3A_731 = arith.constant 0.933333337 : f32
      %gt3A_732 = vector.broadcast %gt3A_731 : f32 to vector<16xf32>
      %gt3A_733 = arith.cmpf ogt, %get3A_282, %gt3A_732 : vector<16xf32>
      %le3A_734 = arith.constant 1.000000e+00 : f32
      %le3A_735 = vector.broadcast %le3A_734 : f32 to vector<16xf32>
      %le3A_736 = arith.cmpf ole, %get3A_282, %le3A_735 : vector<16xf32>
      %and3A_737 = arith.andi %gt3A_733, %le3A_736 : vector<16xi1>
      %jit3A_738 = arith.constant 1.000000e+00 : f32
      %jit3A_739 = arith.constant 0.000000e+00 : f32
      %broadcast_in_dim3A_740 = vector.broadcast %jit3A_738 : f32 to vector<16xf32>
      %broadcast_in_dim3A_741 = vector.broadcast %jit3A_739 : f32 to vector<16xf32>
      %select_n3A_742 = arith.select %and3A_737, %broadcast_in_dim3A_740, %broadcast_in_dim3A_741 : vector<16xi1>, vector<16xf32>
      %swap3A_743 = arith.constant 14 : i32
      %swap3A_744 = arith.index_cast %swap3A_743 : i32 to index
      %swap3A_745 = arith.constant 0 : index
      %swap3A_746 = tpu.vector_load %arg7[%swap3A_744, %swap3A_745] {strides = array<i32>} : memref<45x16xf32, #tpu.memory_space<vmem>>, vector<1x16xf32>,
      %swap3A_747 = vector.shape_cast %swap3A_746 : vector<1x16xf32> to vector<16xf32>
      %swap3A_748 = vector.shape_cast %select_n3A_742 : vector<16xf32> to vector<1x16xf32>
      tpu.vector_store %arg7[%swap3A_744, %swap3A_745], %swap3A_748 {add = true, strides = array<i32>} : memref<45x16xf32, #tpu.memory_space<vmem>>, vector<1x16xf32>,
      %mul3A_749 = arith.mulf %select_n3A_742, %get3A_282 : vector<16xf32>
      %swap3A_750 = arith.constant 29 : i32
      %swap3A_751 = arith.index_cast %swap3A_750 : i32 to index
      %swap3A_752 = arith.constant 0 : index
      %swap3A_753 = tpu.vector_load %arg7[%swap3A_751, %swap3A_752] {strides = array<i32>} : memref<45x16xf32, #tpu.memory_space<vmem>>, vector<1x16xf32>,
      %swap3A_754 = vector.shape_cast %swap3A_753 : vector<1x16xf32> to vector<16xf32>
      %swap3A_755 = vector.shape_cast %mul3A_749 : vector<16xf32> to vector<1x16xf32>
      tpu.vector_store %arg7[%swap3A_751, %swap3A_752], %swap3A_755 {add = true, strides = array<i32>} : memref<45x16xf32, #tpu.memory_space<vmem>>, vector<1x16xf32>,
      %mul3A_756 = arith.mulf %select_n3A_742, %get3A_287 : vector<16xf32>
      %swap3A_757 = arith.constant 44 : i32
      %swap3A_758 = arith.index_cast %swap3A_757 : i32 to index
      %swap3A_759 = arith.constant 0 : index
      %swap3A_760 = tpu.vector_load %arg7[%swap3A_758, %swap3A_759] {strides = array<i32>} : memref<45x16xf32, #tpu.memory_space<vmem>>, vector<1x16xf32>,
      %swap3A_761 = vector.shape_cast %swap3A_760 : vector<1x16xf32> to vector<16xf32>
      %swap3A_762 = vector.shape_cast %mul3A_756 : vector<16xf32> to vector<1x16xf32>
      tpu.vector_store %arg7[%swap3A_758, %swap3A_759], %swap3A_762 {add = true, strides = array<i32>} : memref<45x16xf32, #tpu.memory_space<vmem>>, vector<1x16xf32>,
    }
    %scan3A_277 = arith.constant 32 : i32
    "tpu.region"() ({
      %run_scoped3A = tpu.sem_alloc : memref<!tpu.dma_semaphore, #tpu.memory_space<semaphore_mem>>
      %dma_start3A = arith.constant 0 : i32
      %dma_start3A_278 = arith.constant 0 : i32
      %dma_start3A_279 = tpu.memref_slice %arg4[%add3A, %dma_start3A, %dma_start3A_278] : memref<32x45x16xf32, #tpu.memory_space<hbm>> -> memref<1x45x16xf32, #tpu.memory_space<hbm>>
      %dma_start3A_280 = tpu.memref_squeeze %dma_start3A_279 : memref<1x45x16xf32, #tpu.memory_space<hbm>> -> memref<45x16xf32, #tpu.memory_space<hbm>>
      %dma_start3A_281 = arith.constant 0 : i32
      %dma_start3A_282 = arith.constant 0 : i32
      %dma_start3A_283 = tpu.memref_slice %arg4[%add3A, %dma_start3A_281, %dma_start3A_282] : memref<32x45x16xf32, #tpu.memory_space<hbm>> -> memref<1x45x16xf32, #tpu.memory_space<hbm>>
      %dma_start3A_284 = tpu.memref_squeeze %dma_start3A_283 : memref<1x45x16xf32, #tpu.memory_space<hbm>> -> memref<45x16xf32, #tpu.memory_space<hbm>>
      tpu.enqueue_dma source(%arg7 : memref<45x16xf32, #tpu.memory_space<vmem>>) target(%dma_start3A_284 : memref<45x16xf32, #tpu.memory_space<hbm>>) target_semaphore(%run_scoped3A : memref<!tpu.dma_semaphore, #tpu.memory_space<semaphore_mem>>)
      %dma_wait3A = arith.constant 0 : i32
      %dma_wait3A_285 = arith.constant 0 : i32
      %dma_wait3A_286 = tpu.memref_slice %arg4[%add3A, %dma_wait3A, %dma_wait3A_285] : memref<32x45x16xf32, #tpu.memory_space<hbm>> -> memref<1x45x16xf32, #tpu.memory_space<hbm>>
      %dma_wait3A_287 = tpu.memref_squeeze %dma_wait3A_286 : memref<1x45x16xf32, #tpu.memory_space<hbm>> -> memref<45x16xf32, #tpu.memory_space<hbm>>
      %dma_wait3A_288 = arith.constant 0 : i32
      %dma_wait3A_289 = arith.constant 0 : i32
      %dma_wait3A_290 = tpu.memref_slice %arg4[%add3A, %dma_wait3A_288, %dma_wait3A_289] : memref<32x45x16xf32, #tpu.memory_space<hbm>> -> memref<1x45x16xf32, #tpu.memory_space<hbm>>
      %dma_wait3A_291 = tpu.memref_squeeze %dma_wait3A_290 : memref<1x45x16xf32, #tpu.memory_space<hbm>> -> memref<45x16xf32, #tpu.memory_space<hbm>>
      tpu.wait_dma2 semaphore(%run_scoped3A : memref<!tpu.dma_semaphore, #tpu.memory_space<semaphore_mem>>) src(%arg7 : memref<45x16xf32, #tpu.memory_space<vmem>>) dst(%dma_wait3A_291 : memref<45x16xf32, #tpu.memory_space<hbm>>)
      tpu.yield
    }) : () -> ()
    return
  }
}

module attributes {stable_mosaic.version = 14 : i64} {
  func.func @_tc_body(%arg0: i32, %arg1: memref<1024x1000xf32, #tpu.memory_space<vmem>>, %arg2: memref<1024xi32, #tpu.memory_space<vmem>>, %arg3: memref<16384xf32, #tpu.memory_space<vmem>>, %arg4: memref<16384xf32, #tpu.memory_space<vmem>>) attributes {dimension_semantics = [#tpu.dimension_semantics<arbitrary>], iteration_bounds = array<i64: 16>, scalar_prefetch = 0 : i64, scratch_operands = 0 : i64, tpu.core_type = #tpu.core_type<tc>, window_params = [{transform_indices = @transform_0, window_bounds = array<i64: 1024, 1000>}, {transform_indices = @transform_1, window_bounds = array<i64: 1024>}, {pipeline_mode = #tpu.pipeline_mode<synchronous>, transform_indices = @transform_2, window_bounds = array<i64: 16384>}, {pipeline_mode = #tpu.pipeline_mode<synchronous>, transform_indices = @transform_3, window_bounds = array<i64: 16384>}]} {
    %get3A = arith.constant 0 : index
    %get3A_0 = arith.constant 0 : index
    %get3A_1 = vector.load %arg1[%get3A, %get3A_0] : memref<1024x1000xf32, #tpu.memory_space<vmem>>, vector<1024x1000xf32>
    %reduce_max3A = arith.constant dense<0xFF800000> : vector<1024xf32>
    %reduce_max3A_2 = vector.multi_reduction <maximumf>, %get3A_1, %reduce_max3A [1] : vector<1024x1000xf32> to vector<1024xf32>
    %broadcast_in_dim3A = vector.shape_cast %reduce_max3A_2 : vector<1024xf32> to vector<1024x1xf32>
    %sub3A = vector.broadcast %broadcast_in_dim3A : vector<1024x1xf32> to vector<1024x1000xf32>
    %sub3A_3 = arith.subf %get3A_1, %sub3A : vector<1024x1000xf32>
    %exp3A = math.exp %sub3A_3 : vector<1024x1000xf32>
    %reduce_sum3A = arith.constant dense<0.000000e+00> : vector<1024xf32>
    %reduce_sum3A_4 = vector.multi_reduction <add>, %exp3A, %reduce_sum3A [1] : vector<1024x1000xf32> to vector<1024xf32>
    %iota3A = tpu.iota {dimensions = array<i32: 1>} : vector<1024x1000xi32>
    %eq3A = vector.broadcast %broadcast_in_dim3A : vector<1024x1xf32> to vector<1024x1000xf32>
    %eq3A_5 = arith.cmpf oeq, %get3A_1, %eq3A : vector<1024x1000xf32>
    %jit3A = arith.constant 1073741824 : i32
    %broadcast_in_dim3A_6 = vector.broadcast %jit3A : i32 to vector<1024x1000xi32>
    %select_n3A = arith.select %eq3A_5, %iota3A, %broadcast_in_dim3A_6 : vector<1024x1000xi1>, vector<1024x1000xi32>
    %reduce_min3A = arith.constant dense<2147483647> : vector<1024xi32>
    %reduce_min3A_7 = vector.multi_reduction <minsi>, %select_n3A, %reduce_min3A [1] : vector<1024x1000xi32> to vector<1024xi32>
    %div3A = arith.constant 1.000000e+00 : f32
    %div3A_8 = vector.broadcast %div3A : f32 to vector<1024xf32>
    %div3A_9 = arith.divf %div3A_8, %reduce_sum3A_4 : vector<1024xf32>
    %mul3A = arith.constant 1024 : i32
    %mul3A_10 = arith.muli %arg0, %mul3A : i32
    %swap3A = arith.index_cast %mul3A_10 : i32 to index
    %swap3A_11 = vector.load %arg3[%swap3A] : memref<16384xf32, #tpu.memory_space<vmem>>, vector<1024xf32>
    tpu.vector_store %arg3[%swap3A], %div3A_9 {strides = array<i32>} : memref<16384xf32, #tpu.memory_space<vmem>>, vector<1024xf32>,
    %get3A_12 = arith.constant 0 : index
    %get3A_13 = vector.load %arg2[%get3A_12] : memref<1024xi32, #tpu.memory_space<vmem>>, vector<1024xi32>
    %eq3A_14 = arith.cmpi eq, %reduce_min3A_7, %get3A_13 : vector<1024xi32>
    %convert_element_type3A = arith.extui %eq3A_14 : vector<1024xi1> to vector<1024xi32>
    %convert_element_type3A_15 = arith.sitofp %convert_element_type3A : vector<1024xi32> to vector<1024xf32>
    %mul3A_16 = arith.constant 1024 : i32
    %mul3A_17 = arith.muli %arg0, %mul3A_16 : i32
    %swap3A_18 = arith.index_cast %mul3A_17 : i32 to index
    %swap3A_19 = vector.load %arg4[%swap3A_18] : memref<16384xf32, #tpu.memory_space<vmem>>, vector<1024xf32>
    tpu.vector_store %arg4[%swap3A_18], %convert_element_type3A_15 {strides = array<i32>} : memref<16384xf32, #tpu.memory_space<vmem>>, vector<1024xf32>,
    return
  }
  func.func @transform_0(%arg0: i32) -> (i32, i32) {
    %c0_i32 = arith.constant 0 : i32
    %c0_i32_0 = arith.constant 0 : i32
    return %arg0, %c0_i32 : i32, i32
  }
  func.func @transform_1(%arg0: i32) -> i32 {
    %c0_i32 = arith.constant 0 : i32
    return %arg0 : i32
  }
  func.func @transform_2(%arg0: i32) -> i32 {
    %c0_i32 = arith.constant 0 : i32
    %c0_i32_0 = arith.constant 0 : i32
    return %c0_i32 : i32
  }
  func.func @transform_3(%arg0: i32) -> i32 {
    %c0_i32 = arith.constant 0 : i32
    %c0_i32_0 = arith.constant 0 : i32
    return %c0_i32 : i32
  }
}

</mosaic_0001>

<sc_bundles>
// kernel: kernel.4.cloned.1.call-start
scs
__scs_entry_jumppad:
0x0: {  	(pc) =	sbr.rel $0x88, $3  }
0x1: {  	(tag) =	ssettag $0x0;
	lr =	simm.s32 $0x1  }
0x2: {  	[smem:$0x3F9F] =	sst lr;
	_ =	strace $0xD0000000  }
0x3: {  	_ = 	snop  }
0x4: {  	_ = 	snop  }
0x5: {  	_ = 	snop  }
0x6: {  	_ = 	snop  }
0x7: {  	_ = 	snop  }
__scs_overlays_trampoline_lowered:
0x8: {  	[smem:$0x3FAE] =	sst s0  }
0x9: {  	[smem:$0x3FAF] =	sst s1  }
0xa: {  	[smem:$0x3FB0] =	sst s2  }
0xb: {  	[smem:$0x3FB1] =	sst s3  }
0xc: {  	[smem:$0x3FB2] =	sst s4  }
0xd: {  	[smem:$0x3FB3] =	sst s5  }
0xe: {  	[smem:$0x3FB4] =	sst s6  }
0xf: {  	[smem:$0x3FB5] =	sst s7  }
0x10: {  	[smem:$0x3FB6] =	sst s8  }
0x11: {  	[smem:$0x3FB7] =	sst s9;
	s0 =	simm.s32 @!p0 $0x0  }
0x12: {  	s1 =	sld [smem:$0x3F9D];
	s0 =	simm.s32 @p0 $0x1  }
0x13: {  	[smem:$0x3FB8] =	sst s0;
	s0 =	simm.s32 @!p1 $0x0  }
0x14: {  	s2 =	sld [smem:$0x3F9C];
	s0 =	simm.s32 @p1 $0x1  }
0x15: {  	[smem:$0x3FB9] =	sst s0;
	s0 =	simm.s32 @!p2 $0x0  }
0x16: {  	s3 =	sld [smem:$0x3FDB];
	s0 =	simm.s32 @p2 $0x1  }
0x17: {  	s4 =	simm.s32 $0x1BF5;
	[smem:$0x3FBB] =	sst s0  }
0x18: {  	s0 =	sld [smem:$0x3F9E];
	_ =	swait.ge [sflag:s4], $0x0  }
0x19: {  	s7 =	sld [smem:$0x3F9F]  }
0x1a: {  	s8 =	sadd.s32 $0xFFFFE003, lr  }
0x1b: {  	s9 =	sadd.s32 $0xFFFFFEF7, lr;
	s5 =	simm.s32 $0xFFFFFFFF;
	p2 =	slt.u32 s8, $0xFFFFF086  }
0x1c: {  	p1 =	slt.u32 s9, $0xF7A;
	s5 =	simm.s32 @!p2 $0x0  }
0x1d: {  	s5 =	simm.s32 @p1 $0x1;
	p0 =	seq.s32 s7, s2  }
0x1e: {  	s7 =	smul.u32 @!p0 $0xF7A, s2;
	p2 =	seq.s32 @!p0 s5, $0x0  }
0x1f: {  	s9 =	smul.u32 $0xF7A, s1;
	s8 =	simm.s32 @!p0 $0x1BF5;
	p2 =	por !p2, p0  }
0x20: {  	[sflag:s8] =	ssyncset.s32 @!p0 $0xFFFFF086;
	s6 =	sadd.s32 @!p0 s3, s7;
	s7 =	simm.s32 @!p0 $0x108  }
0x21: {  	s3 =	sadd.s32 s3, s9;
	s6 =	sadd.s32 @!p0 $0x88, s6;
	s7 =	simm.s32 @p2 $0x1082  }
0x22: {  	[simem:s7], [sflag:s8] =	dma.local @!p0 [hbm:s6], $0xF7A  }
0x23: {  	s9 =	sor.u32 $0xD0000000, s2;
	s6 =	simm.s32 $0x108;
	_ =	swait.ge @!p0 [sflag:s8], $0x0  }
0x24: {  	s3 =	sadd.s32 $0x88, s3;
	s6 =	simm.s32 @!p1 $0x1082;
	[sflag:s4] =	ssyncset.s32 $0xFFFFF086  }
0x25: {  	[simem:s6], [sflag:s4] =	dma.local [hbm:s3], $0xF7A  }
0x26: {  	[smem:$0x3F9F] =	sst s1;
	(tag) =	ssettag s2;
	_ =	strace s9  }
0x27: {  	s1 =	sld [smem:$0x3FAF]  }
0x28: {  	s2 =	sld [smem:$0x3FB0]  }
0x29: {  	s4 =	sld [smem:$0x3FB2]  }
0x2a: {  	p0 =	seq.s32 s5, $0x0;
	s5 =	sld [smem:$0x3FB3]  }
0x2b: {  	s6 =	sld [smem:$0x3FB4]  }
0x2c: {  	s7 =	sld [smem:$0x3FB5]  }
0x2d: {  	s3 =	simm.s32 $0x108;
	s8 =	sld [smem:$0x3FB6]  }
0x2e: {  	s3 =	simm.s32 @!p0 $0x1082;
	s9 =	sld [smem:$0x3FB7]  }
0x2f: {  	lr =	sadd.s32 s0, s3;
	s0 =	sld [smem:$0x3FAE]  }
0x30: {  	s3 =	sld [smem:$0x3FB1]  }
0x31: {  	[smem:$0x3FBA] =	sst s10  }
0x32: {  	s10 =	sld [smem:$0x3FB8];
	_ =	sdelay $0x3  }
0x33: {  	p0 =	seq.s32 s10, $0x1;
	s10 =	sld [smem:$0x3FBA];
	_ =	sdelay $0x3  }
0x34: {  	[smem:$0x3FBA] =	sst s10  }
0x35: {  	s10 =	sld [smem:$0x3FB9];
	_ =	sdelay $0x3  }
0x36: {  	p1 =	seq.s32 s10, $0x1;
	s10 =	sld [smem:$0x3FBA];
	_ =	sdelay $0x3  }
0x37: {  	[smem:$0x3FBA] =	sst s10  }
0x38: {  	s10 =	sld [smem:$0x3FBB]  }
0x39: {  	_ = 	snop;
	(pc) =	sbr.ind lr, $3  }
0x3a: {  	_ = 	snop  }
0x3b: {  	_ = 	snop  }
0x3c: {  	p2 =	seq.s32 s10, $0x1;
	s10 =	sld [smem:$0x3FBA]  }
0x3d: {  	_ =	shalt  }
0x3e: {  	_ =	shalt  }
0x3f: {  	_ =	shalt  }
0x40: {  	_ =	shalt  }
0x41: {  	_ =	shalt  }
0x42: {  	_ =	shalt  }
0x43: {  	_ =	shalt  }
0x44: {  	_ =	shalt  }
0x45: {  	_ =	shalt  }
0x46: {  	_ =	shalt  }
0x47: {  	_ =	shalt  }
0x48: {  	_ =	shalt  }
0x49: {  	_ =	shalt  }
0x4a: {  	_ =	shalt  }
0x4b: {  	_ =	shalt  }
0x4c: {  	_ =	shalt  }
0x4d: {  	_ =	shalt  }
0x4e: {  	_ =	shalt  }
0x4f: {  	_ =	shalt  }
0x50: {  	_ =	shalt  }
0x51: {  	_ =	shalt  }
0x52: {  	_ =	shalt  }
0x53: {  	_ =	shalt  }
0x54: {  	_ =	shalt  }
0x55: {  	_ =	shalt  }
0x56: {  	_ =	shalt  }
0x57: {  	_ =	shalt  }
0x58: {  	_ =	shalt  }
0x59: {  	_ =	shalt  }
0x5a: {  	_ =	shalt  }
0x5b: {  	_ =	shalt  }
0x5c: {  	_ =	shalt  }
0x5d: {  	_ =	shalt  }
0x5e: {  	_ =	shalt  }
0x5f: {  	_ =	shalt  }
0x60: {  	_ =	shalt  }
0x61: {  	_ =	shalt  }
0x62: {  	_ =	shalt  }
0x63: {  	_ =	shalt  }
0x64: {  	_ =	shalt  }
0x65: {  	_ =	shalt  }
0x66: {  	_ =	shalt  }
0x67: {  	_ =	shalt  }
0x68: {  	_ =	shalt  }
0x69: {  	_ =	shalt  }
0x6a: {  	_ =	shalt  }
0x6b: {  	_ =	shalt  }
0x6c: {  	_ =	shalt  }
0x6d: {  	_ =	shalt  }
0x6e: {  	_ =	shalt  }
0x6f: {  	_ =	shalt  }
0x70: {  	_ =	shalt  }
0x71: {  	_ =	shalt  }
0x72: {  	_ =	shalt  }
0x73: {  	_ =	shalt  }
0x74: {  	_ =	shalt  }
0x75: {  	_ =	shalt  }
0x76: {  	_ =	shalt  }
0x77: {  	_ =	shalt  }
0x78: {  	_ =	shalt  }
0x79: {  	_ =	shalt  }
0x7a: {  	_ =	shalt  }
0x7b: {  	_ =	shalt  }
0x7c: {  	_ =	shalt  }
0x7d: {  	_ =	shalt  }
0x7e: {  	_ =	shalt  }
0x7f: {  	_ =	shalt  }
0x80: {  	_ =	shalt  }
0x81: {  	_ =	shalt  }
0x82: {  	_ =	shalt  }
0x83: {  	_ =	shalt  }
0x84: {  	_ =	shalt  }
0x85: {  	_ =	shalt  }
0x86: {  	_ =	shalt  }
0x87: {  	_ =	shalt  }
.Lfunc_end0:
.L_simem_size_0:
called_computation_lowered:
.L_overlay_start_0:
0x88: {  	s2 =	sld [smem:$0x3FD9]  }
0x89: {  	s3 =	sld [smem:$0x3FFE];
	_ =	sdelay $0x1  }
0x8a: {  	s1 =	srdreg.scid  }
0x8b: {  	s0 =	sand.u32 $0x1, s1  }
0x8c: {  	s16 =	sshll.u32 s0, $0xA;
	s2 =	sadd.s32 s3, s2  }
0x8d: {  	s2 =	sadd.s32 s2, s16  }
0x8e: {  	[smem:$0x3FC6] =	sst s2  }
0x8f: {  	_ = 	snop  }
0x90: {  	(tm) =	ssettm $0x1  }
0x91: {  	s17 =	sld [smem:$0x3FFB];
	_ =	sdelay $0x3  }
0x92: {  	_ =	strace s17  }
0x93: {  	s2 =	sld [smem:$0x3FFC];
	_ =	sdelay $0x3  }
0x94: {  	_ =	strace s2  }
0x95: {  	s2 =	sld [smem:$0x3FFD];
	_ =	sdelay $0x3  }
0x96: {  	_ =	strace s2  }
0x97: {  	_ =	strace $0x8FFFFFFF  }
0x98: {  	s18 =	sld [smem:$0x3FDB];
	_ =	sdelay $0x1  }
0x99: {  	s19 =	simm.s32 $_scs_section_size  }
0x9a: {  	s4 =	simm.s32 $_size__tile_overlayer_lowered;
	s5 =	simm.s32 $_tile_overlayer_lowered  }
0x9b: {  	s22 =	simm.s32 $0x1BFF;
	s21 =	sshll.u32 s5, $0x1;
	s2 =	sadd.s32 s19, s18  }
0x9c: {  	s6 =	simm.s32 $0x0;
	s20 =	sshll.u32 s4, $0x1;
	s4 =	sadd.s32 s21, s2  }
0x9d: {  	[timem:s6], [sflag:s22] =	dma.local [hbm:s4], s20  }
0x9e: {  	_ =	swait.ge [sflag:s22], s20  }
0x9f: {  	s3 =	ssub.s32 $0x0, s20;
	[sflag:s22] =	ssyncset.done $0x0  }
0xa0: {  	[sflag:s22] =	ssyncadd.s32 s3;
	_ =	sdelay $0x1  }
0xa1: {  	s23 =	simm.s32 $0x1B8B  }
0xa2: {  	_ =	swait.ge [sflag:s23], $0x1  }
0xa3: {  	[sflag:s23] =	ssyncset.done $0x0  }
0xa4: {  	s25 =	simm.s32 $0x1B8E;
	s24 =	sld [smem:$0x3FFE];
	[sflag:s23] =	ssyncadd.s32 $0xFFFFFFFF  }
0xa5: {  	s26 =	simm.s32 $execute0_lowered;
	[smem:$0x3FD2] =	sst s25  }
0xa6: {  	s4 =	sshll.u32 s26, $0x1;
	_ =	strace $0x80000046;
	[dreg:$0x1] =	wrdreg $0xFFFFFFFF  }
0xa7: {  	s28 =	simm.s32 $_size_execute0_lowered;
	s2 =	sadd.s32 s2, s4;
	[dreg:$0x0] =	wrdreg $0x0  }
0xa8: {  	s4 =	sshll.u32 s28, $0x1;
	[dreg:$0x2] =	wrdreg s2  }
0xa9: {  	[dreg:$0x3] =	wrdreg s4  }
0xaa: {  	[dreg:$0x4] =	wrdreg $0xC0  }
0xab: {  	_ =	task [dreg:s6], $0x5FFFF  }
0xac: {  	[dreg:$0x1] =	wrdreg $0xFFFFFFFF  }
0xad: {  	[dreg:$0x0] =	wrdreg $0x60  }
0xae: {  	[dreg:$0x2] =	wrdreg s24  }
0xaf: {  	[dreg:$0x3] =	wrdreg $0x9  }
0xb0: {  	_ =	task.clear_ibuf [dreg:s6], $0x4FFFF;
	_ =	strace $0x90000046  }
0xb1: {  	s29 =	simm.s32 $0x9;
	_ =	strace $0x80000048  }
0xb2: {  	_ =	swait.ge [sflag:s29], $0x1  }
0xb3: {  	[sflag:s29] =	ssyncadd.s32 $0xFFFFFFFF  }
0xb4: {  	_ =	strace $0x90000048  }
0xb5: {  	_ =	sfence  }
0xb6: {  	s30 =	sld [smem:$0x0];
	_ =	sdelay $0x2  }
0xb7: {  	s31 =	sshll.u32 s1, $0xD;
	s1 =	sshrl.u32 s1, $0x2  }
0xb8: {  	s3 =	sand.u32 $0x4000, s31;
	s1 =	sadd.s32 s1, s30  }
0xb9: {  	s0 =	sor.u32 s3, s0;
	s1 =	sshll.u32 s1, $0x11  }
0xba: {  	s0 =	sor.u32 s1, s0  }
0xbb: {  	s0 =	sadd.s32 $0x8F2B, s0  }
0xbc: {  	[sflag:s0] =	ssyncadd.remote.s32 $0x1  }
0xbd: {  	_ =	sfence.sel $0xFFFF  }
0xbe: {  	[dreg:$0x0] =	wrdreg $0xFFFFFFFF;
	(pc) =	sbr.abs _section_cstart, $3  }
0xbf: {  	[dreg:$0x1] =	wrdreg $0xFFFFFFFF  }
0xc0: {  	_ =	task.clear_ibuf [dreg:s6], $0x2FFFF;
	_ =	strace $0x9FFFFFFF  }
0xc1: {  	(tm) =	ssettm $0x7FFFFFFF  }
tec
execute0_lowered:
.L_overlay_start_1:
0x0: {  	(tag) =	ssettag $0x1  }
0x1: {  	s0 =	rddreg [dreg:$0x0];
	s6 =	simm.s32 $0x0  }
0x2: {  	s2 =	simm.s32 $0xB80;
	[smem:$0x7FF] =	sst s6  }
0x3: {  	s12 =	simm.s32 $0x1300;
	_ =	strace $0x80000047;
	[dreg:$0x2] =	wrdreg s2  }
0x4: {  	s13 =	simm.s32 $0x480;
	[dreg:$0x3] =	wrdreg s12  }
0x5: {  	s14 =	simm.s32 $0xC00;
	[dreg:$0x4] =	wrdreg s13  }
0x6: {  	s15 =	simm.s32 $0x1380;
	[dreg:$0x5] =	wrdreg s14  }
0x7: {  	s16 =	simm.s32 $0x500;
	[dreg:$0x6] =	wrdreg s15  }
0x8: {  	s17 =	simm.s32 $0xC80;
	[dreg:$0x7] =	wrdreg s16  }
0x9: {  	s18 =	simm.s32 $0x1400;
	[dreg:$0x8] =	wrdreg s17  }
0xa: {  	s19 =	simm.s32 $0x580;
	[dreg:$0x9] =	wrdreg s18  }
0xb: {  	s21 =	simm.s32 $0xD00;
	[dreg:$0xa] =	wrdreg s19  }
0xc: {  	s22 =	simm.s32 $0x1480;
	[dreg:$0xb] =	wrdreg s21  }
0xd: {  	s1 =	srdreg.scid;
	s24 =	simm.s32 $0x600;
	[dreg:$0xc] =	wrdreg s22  }
0xe: {  	s3 =	stileid.u32;
	s26 =	simm.s32 $0xD80;
	[dreg:$0xd] =	wrdreg s24  }
0xf: {  	s28 =	simm.s32 $0x1500;
	s29 =	simm.s32 $0x680;
	[dreg:$0xe] =	wrdreg s26  }
0x10: {  	s1 =	sand.u32 $0x1, s1;
	s3 =	sshll.u32 s3, $0x1;
	[dreg:$0xf] =	wrdreg s28  }
0x11: {  	s30 =	simm.s32 $0xE00;
	s3 =	sor.u32 s1, s3;
	[dreg:$0x10] =	wrdreg s29  }
0x12: {  	s31 =	simm.s32 $0x1580;
	[dreg:$0x11] =	wrdreg s30;
	s4 =	sshll.u32 s3, $0x6  }
0x13: {  	s1 =	ssub.s32 $0x2, s1;
	[dreg:$0x12] =	wrdreg s31;
	s4 =	sadd.s32 s4, s0  }
0x14: {  	s3 =	smul.u32 $0x300, s3;
	s20 =	sshrl.u32 s1, $0x1;
	s23 =	sadd.s32 $0x200, s4  }
0x15: {  	s1 =	ssub.s32 s1, s20;
	s25 =	sadd.s32 $0xA00, s4;
	[dreg:$0x13] =	wrdreg s23  }
0x16: {  	s0 =	sadd.s32 s3, s0;
	s1 =	smax.u32 s1, $0x1;
	[dreg:$0x14] =	wrdreg s25  }
0x17: {  	s7 =	simm.s32 $0x1;
	s0 =	sadd.s32 $0x1200, s0;
	[dreg:$0x16] =	wrdreg s1  }
0x18: {  	v0 =	vimm.f32 $0.0e+00;
	s12 =	simm.s32 $0x400;
	[dreg:$0x15] =	wrdreg s0;
	s0 =	simm.s32 $0x0  }
.LBB2_1:
0x19: {  	[dreg:$0x17] =	wrdreg s0  }
0x1a: {  	s2 =	rddreg [dreg:$0x13]  }
0x1b: {  	[tilespmem:s6], [sflag:$0x1] =	stream.linear.gather [hbm4b:s2+s6], $0x200, $0x38;
	[tilespmem:$0x1C00] =	vst v63  }
0x1c: {  	_ =	swait.ge [sflag:s7], $0x200  }
0x1d: {  	[sflag:s7] =	ssyncset.done $0x0  }
0x1e: {  	s9 =	simm.s32 $0x200;
	s11 =	rddreg [dreg:$0x14];
	[sflag:s7] =	ssyncadd.s32 $0xFFFFFE00  }
0x1f: {  	[tilespmem:s9], [sflag:$0x1] =	stream.linear.gather [hbm4b:s11+s6], $0x200, $0x38;
	[tilespmem:$0x1C00] =	vst v63  }
0x20: {  	_ =	swait.ge [sflag:s7], $0x200  }
0x21: {  	[sflag:s7] =	ssyncset.done $0x0  }
0x22: {  	[sflag:s7] =	ssyncadd.s32 $0xFFFFFE00  }
0x23: {  	[tilespmem:$0x400] =	vst v0  }
0x24: {  	[tilespmem:$0x480] =	vst v0  }
0x25: {  	[tilespmem:$0x500] =	vst v0  }
0x26: {  	[tilespmem:$0x580] =	vst v0  }
0x27: {  	[tilespmem:$0x600] =	vst v0  }
0x28: {  	[tilespmem:$0x680] =	vst v0  }
0x29: {  	[tilespmem:$0x700] =	vst v0  }
0x2a: {  	[tilespmem:$0x780] =	vst v0  }
0x2b: {  	[tilespmem:$0x800] =	vst v0  }
0x2c: {  	[tilespmem:$0x880] =	vst v0  }
0x2d: {  	[tilespmem:$0x900] =	vst v0  }
0x2e: {  	[tilespmem:$0x980] =	vst v0  }
0x2f: {  	[tilespmem:$0xA00] =	vst v0  }
0x30: {  	[tilespmem:$0xA80] =	vst v0  }
0x31: {  	[tilespmem:$0xB00] =	vst v0  }
0x32: {  	[tilespmem:$0xB80] =	vst v0  }
0x33: {  	[tilespmem:$0xC00] =	vst v0  }
0x34: {  	[tilespmem:$0xC80] =	vst v0  }
0x35: {  	[tilespmem:$0xD00] =	vst v0  }
0x36: {  	[tilespmem:$0xD80] =	vst v0  }
0x37: {  	[tilespmem:$0xE00] =	vst v0  }
0x38: {  	[tilespmem:$0xE80] =	vst v0  }
0x39: {  	[tilespmem:$0xF00] =	vst v0  }
0x3a: {  	[tilespmem:$0xF80] =	vst v0  }
0x3b: {  	[tilespmem:$0x1000] =	vst v0  }
0x3c: {  	[tilespmem:$0x1080] =	vst v0  }
0x3d: {  	[tilespmem:$0x1100] =	vst v0  }
0x3e: {  	[tilespmem:$0x1180] =	vst v0  }
0x3f: {  	[tilespmem:$0x1200] =	vst v0  }
0x40: {  	[tilespmem:$0x1280] =	vst v0  }
0x41: {  	[tilespmem:$0x1300] =	vst v0  }
0x42: {  	[tilespmem:$0x1380] =	vst v0  }
0x43: {  	[tilespmem:$0x1400] =	vst v0  }
0x44: {  	[tilespmem:$0x1480] =	vst v0  }
0x45: {  	[tilespmem:$0x1500] =	vst v0  }
0x46: {  	[tilespmem:$0x1580] =	vst v0  }
0x47: {  	[tilespmem:$0x1600] =	vst v0  }
0x48: {  	[tilespmem:$0x1680] =	vst v0  }
0x49: {  	s14 =	simm.s32 $0xF00;
	s15 =	simm.s32 $0x1680;
	s16 =	simm.s32 $0x800;
	[tilespmem:$0x1700] =	vst v0  }
0x4a: {  	s17 =	simm.s32 $0xF80;
	s18 =	simm.s32 $0x1700;
	s19 =	simm.s32 $0x880;
	[tilespmem:$0x1780] =	vst v0  }
0x4b: {  	s20 =	simm.s32 $0x1000;
	s21 =	simm.s32 $0x1780;
	s22 =	simm.s32 $0x900;
	[tilespmem:$0x1800] =	vst v0  }
0x4c: {  	s23 =	simm.s32 $0x1080;
	s24 =	simm.s32 $0x1800;
	s25 =	simm.s32 $0x980;
	[tilespmem:$0x1880] =	vst v0  }
0x4d: {  	s26 =	simm.s32 $0x1100;
	s28 =	simm.s32 $0x1880;
	s29 =	simm.s32 $0xA00;
	[tilespmem:$0x1900] =	vst v0  }
0x4e: {  	s30 =	simm.s32 $0x1180;
	s31 =	simm.s32 $0x1900;
	s0 =	simm.s32 $0xA80;
	[tilespmem:$0x1980] =	vst v0  }
0x4f: {  	s1 =	simm.s32 $0x1200;
	s8 =	simm.s32 $0x1980;
	s13 =	simm.s32 $0x0;
	[tilespmem:$0x1A00] =	vst v0  }
0x50: {  	s3 =	simm.s32 $0xB00;
	s4 =	simm.s32 $0x1280;
	s5 =	simm.s32 $0x1A00;
	v1 =	vld [tilespmem:s13+$0x0]  }
0x51: {  	s2 =	simm.s32 $0x40;
	s9 =	rddreg [dreg:$0x3];
	s7 =	simm.s32 $0x80;
	v2 =	vld [tilespmem:s13+$0x200]  }
.LBB2_2:
0x52: {  	_ =	sdelay $0x2  }
0x53: {  	vm0 =	vgt.f32 v1, $0.0e+00;
	vm1 =	vle.f32 v1, $6.666667010e-02  }
0x54: {  	vm0 =	vmand vm0, vm1  }
0x55: {  	v3 =	vsel vm0, $0x3F800000, v0  }
0x56: {  	vm12 =	vgt.f32 v1, $6.666667010e-02;
	vm13 =	vle.f32 v1, $1.333333400e-01;
	v4 =	vmul.f32 v3, v1  }
0x57: {  	s10 =	rddreg [dreg:$0x2];
	vm0 =	vmand vm12, vm13;
	[tilespmem:s12+$0x0] =	vst.add.f32.msk $0xffff, v3;
	v3 =	vmul.f32 v3, v2  }
0x58: {  	v5 =	vsel vm0, $0x3F800000, v0;
	[tilespmem:s10+$0x0] =	vst.add.f32.msk $0xffff, v4  }
0x59: {  	s11 =	rddreg [dreg:$0x4];
	vm14 =	vgt.f32 v1, $1.333333400e-01;
	vm15 =	vle.f32 v1, $2.000000030e-01;
	v38 =	vmul.f32 v5, v1;
	[tilespmem:s9+$0x0] =	vst.add.f32.msk $0xffff, v3  }
0x5a: {  	s12 =	rddreg [dreg:$0x5];
	vm0 =	vmand vm14, vm15;
	v3 =	vmul.f32 v5, v2;
	[tilespmem:s11+$0x0] =	vst.add.f32.msk $0xffff, v5  }
0x5b: {  	s13 =	rddreg [dreg:$0x6];
	v39 =	vsel vm0, $0x3F800000, v0;
	[tilespmem:s12+$0x0] =	vst.add.f32.msk $0xffff, v38  }
0x5c: {  	vm4 =	vgt.f32 v1, $2.000000030e-01;
	vm5 =	vle.f32 v1, $2.666666810e-01;
	s10 =	rddreg [dreg:$0x7];
	v40 =	vmul.f32 v39, v1;
	[tilespmem:s13+$0x0] =	vst.add.f32.msk $0xffff, v3  }
0x5d: {  	vm0 =	vmand vm4, vm5;
	s9 =	rddreg [dreg:$0x8];
	v3 =	vmul.f32 v39, v2;
	[tilespmem:s10+$0x0] =	vst.add.f32.msk $0xffff, v39  }
0x5e: {  	v41 =	vsel vm0, $0x3F800000, v0;
	s11 =	rddreg [dreg:$0x9];
	[tilespmem:s9+$0x0] =	vst.add.f32.msk $0xffff, v40  }
0x5f: {  	vm6 =	vle.f32 v1, $3.333333430e-01;
	vm7 =	vgt.f32 v1, $2.666666810e-01;
	v42 =	vmul.f32 v41, v1;
	s12 =	rddreg [dreg:$0xa];
	[tilespmem:s11+$0x0] =	vst.add.f32.msk $0xffff, v3  }
0x60: {  	vm0 =	vmand vm7, vm6;
	v6 =	vmul.f32 v41, v2;
	s13 =	rddreg [dreg:$0xb];
	[tilespmem:s12+$0x0] =	vst.add.f32.msk $0xffff, v41  }
0x61: {  	s10 =	rddreg [dreg:$0xc];
	v3 =	vsel vm0, $0x3F800000, v0;
	[tilespmem:s13+$0x0] =	vst.add.f32.msk $0xffff, v42  }
0x62: {  	vm8 =	vle.f32 v1, $4.000000060e-01;
	vm9 =	vgt.f32 v1, $3.333333430e-01;
	s9 =	rddreg [dreg:$0xd];
	v43 =	vmul.f32 v3, v1;
	[tilespmem:s10+$0x0] =	vst.add.f32.msk $0xffff, v6  }
0x63: {  	s11 =	rddreg [dreg:$0xe];
	vm0 =	vmand vm9, vm8;
	v44 =	vmul.f32 v3, v2;
	[tilespmem:s9+$0x0] =	vst.add.f32.msk $0xffff, v3  }
0x64: {  	s12 =	rddreg [dreg:$0xf];
	v3 =	vsel vm0, $0x3F800000, v0;
	[tilespmem:s11+$0x0] =	vst.add.f32.msk $0xffff, v43  }
0x65: {  	vm10 =	vle.f32 v1, $4.666666690e-01;
	vm11 =	vgt.f32 v1, $4.000000060e-01;
	s13 =	rddreg [dreg:$0x10];
	v45 =	vmul.f32 v3, v1;
	[tilespmem:s12+$0x0] =	vst.add.f32.msk $0xffff, v44  }
0x66: {  	s10 =	rddreg [dreg:$0x11];
	vm0 =	vmand vm11, vm10;
	v46 =	vmul.f32 v3, v2;
	[tilespmem:s13+$0x0] =	vst.add.f32.msk $0xffff, v3  }
0x67: {  	s9 =	rddreg [dreg:$0x12];
	v3 =	vsel vm0, $0x3F800000, v0;
	[tilespmem:s10+$0x0] =	vst.add.f32.msk $0xffff, v45  }
0x68: {  	vm12 =	vle.f32 v1, $5.333333610e-01;
	vm13 =	vgt.f32 v1, $4.666666690e-01;
	s10 =	simm.s32 $0x700;
	v47 =	vmul.f32 v3, v1;
	[tilespmem:s9+$0x0] =	vst.add.f32.msk $0xffff, v46  }
0x69: {  	s11 =	simm.s32 $0xE80;
	vm0 =	vmand vm13, vm12;
	v48 =	vmul.f32 v3, v2;
	[tilespmem:s10+$0x0] =	vst.add.f32.msk $0xffff, v3  }
0x6a: {  	s13 =	simm.s32 $0x1600;
	v3 =	vsel vm0, $0x3F800000, v0;
	[tilespmem:s11+$0x0] =	vst.add.f32.msk $0xffff, v47  }
0x6b: {  	vm14 =	vle.f32 v1, $6.000000240e-01;
	vm15 =	vgt.f32 v1, $5.333333610e-01;
	s9 =	simm.s32 $0x780;
	v49 =	vmul.f32 v3, v1;
	[tilespmem:s13+$0x0] =	vst.add.f32.msk $0xffff, v48  }
0x6c: {  	vm0 =	vmand vm15, vm14;
	v50 =	vmul.f32 v3, v2;
	[tilespmem:s9+$0x0] =	vst.add.f32.msk $0xffff, v3  }
0x6d: {  	v3 =	vsel vm0, $0x3F800000, v0;
	[tilespmem:s14+$0x0] =	vst.add.f32.msk $0xffff, v49  }
0x6e: {  	vm4 =	vgt.f32 v1, $6.000000240e-01;
	vm5 =	vle.f32 v1, $6.666666860e-01;
	v51 =	vmul.f32 v3, v1;
	[tilespmem:s15+$0x0] =	vst.add.f32.msk $0xffff, v50  }
0x6f: {  	vm0 =	vmand vm4, vm5;
	v52 =	vmul.f32 v3, v2;
	[tilespmem:s16+$0x0] =	vst.add.f32.msk $0xffff, v3  }
0x70: {  	v53 =	vsel vm0, $0x3F800000, v0;
	[tilespmem:s17+$0x0] =	vst.add.f32.msk $0xffff, v51  }
0x71: {  	vm6 =	vle.f32 v1, $7.333333490e-01;
	vm7 =	vgt.f32 v1, $6.666666860e-01;
	v3 =	vmul.f32 v53, v1;
	[tilespmem:s18+$0x0] =	vst.add.f32.msk $0xffff, v52  }
0x72: {  	vm0 =	vmand vm7, vm6;
	v7 =	vmul.f32 v53, v2;
	[tilespmem:s19+$0x0] =	vst.add.f32.msk $0xffff, v53  }
0x73: {  	v54 =	vsel vm0, $0x3F800000, v0;
	[tilespmem:s20+$0x0] =	vst.add.f32.msk $0xffff, v3  }
0x74: {  	vm8 =	vle.f32 v1, $8.000000110e-01;
	vm9 =	vgt.f32 v1, $7.333333490e-01;
	v55 =	vmul.f32 v54, v1;
	[tilespmem:s21+$0x0] =	vst.add.f32.msk $0xffff, v7  }
0x75: {  	vm0 =	vmand vm9, vm8;
	v56 =	vmul.f32 v54, v2;
	[tilespmem:s22+$0x0] =	vst.add.f32.msk $0xffff, v54  }
0x76: {  	v3 =	vsel vm0, $0x3F800000, v0;
	[tilespmem:s23+$0x0] =	vst.add.f32.msk $0xffff, v55  }
0x77: {  	vm10 =	vgt.f32 v1, $8.000000110e-01;
	vm11 =	vle.f32 v1, $8.666666740e-01;
	v57 =	vmul.f32 v3, v1;
	[tilespmem:s24+$0x0] =	vst.add.f32.msk $0xffff, v56  }
0x78: {  	vm0 =	vmand vm10, vm11;
	v58 =	vmul.f32 v3, v2;
	[tilespmem:s25+$0x0] =	vst.add.f32.msk $0xffff, v3  }
0x79: {  	v59 =	vsel vm0, $0x3F800000, v0;
	[tilespmem:s26+$0x0] =	vst.add.f32.msk $0xffff, v57  }
0x7a: {  	vm12 =	vle.f32 v1, $9.333333370e-01;
	vm13 =	vgt.f32 v1, $8.666666740e-01;
	v3 =	vmul.f32 v59, v1;
	[tilespmem:s28+$0x0] =	vst.add.f32.msk $0xffff, v58  }
0x7b: {  	vm0 =	vmand vm13, vm12;
	v60 =	vmul.f32 v59, v2;
	[tilespmem:s29+$0x0] =	vst.add.f32.msk $0xffff, v59  }
0x7c: {  	v61 =	vsel vm0, $0x3F800000, v0;
	[tilespmem:s30+$0x0] =	vst.add.f32.msk $0xffff, v3  }
0x7d: {  	vm14 =	vle.f32 v1, $1.000000000e+00;
	vm15 =	vgt.f32 v1, $9.333333370e-01;
	v62 =	vmul.f32 v61, v1;
	[tilespmem:s31+$0x0] =	vst.add.f32.msk $0xffff, v60  }
0x7e: {  	vm0 =	vmand vm15, vm14;
	v63 =	vmul.f32 v61, v2;
	[tilespmem:s0+$0x0] =	vst.add.f32.msk $0xffff, v61  }
0x7f: {  	v3 =	vsel vm0, $0x3F800000, v0;
	[tilespmem:s1+$0x0] =	vst.add.f32.msk $0xffff, v62  }
0x80: {  	p0 =	sne.s32 s7, $0x7C0;
	v1 =	vmul.f32 v3, v1;
	[tilespmem:s8+$0x0] =	vst.add.f32.msk $0xffff, v63  }
.Ltmp0:
0x81: {  	v2 =	vmul.f32 v3, v2;
	[tilespmem:s3+$0x0] =	vst.add.f32.msk $0xffff, v3;
	(pc) =	sbr.rel @p0 .LBB2_2-.Ltmp0, $4  }
0x82: {  	[tilespmem:s4+$0x0] =	vst.add.f32.msk $0xffff, v1  }
0x83: {  	s6 =	sshra.s32 s2, $0x2;
	[tilespmem:s5+$0x0] =	vst.add.f32.msk $0xffff, v2  }
0x84: {  	s2 =	smov.u32 s7;
	v1 =	vld [tilespmem:s6+$0x0]  }
0x85: {  	s7 =	sadd.s32 $0x40, s7;
	s12 =	simm.s32 $0x400;
	s9 =	rddreg [dreg:$0x3];
	v2 =	vld [tilespmem:s6+$0x200]  }
0x86: {  	_ =	sdelay $0x2  }
0x87: {  	vm0 =	vgt.f32 v1, $0.0e+00;
	vm1 =	vle.f32 v1, $6.666667010e-02  }
0x88: {  	vm0 =	vmand vm0, vm1  }
0x89: {  	v3 =	vsel vm0, $0x3F800000, v0  }
0x8a: {  	vm6 =	vgt.f32 v1, $6.666667010e-02;
	vm7 =	vle.f32 v1, $1.333333400e-01;
	v4 =	vmul.f32 v3, v1  }
0x8b: {  	s6 =	rddreg [dreg:$0x2];
	vm0 =	vmand vm6, vm7;
	[tilespmem:s12+$0x0] =	vst.add.f32.msk $0xffff, v3;
	v3 =	vmul.f32 v3, v2  }
0x8c: {  	v16 =	vsel vm0, $0x3F800000, v0;
	[tilespmem:s6+$0x0] =	vst.add.f32.msk $0xffff, v4  }
0x8d: {  	s7 =	rddreg [dreg:$0x4];
	vm8 =	vgt.f32 v1, $1.333333400e-01;
	vm9 =	vle.f32 v1, $2.000000030e-01;
	[tilespmem:s9+$0x0] =	vst.add.f32.msk $0xffff, v3;
	v3 =	vmul.f32 v16, v1  }
0x8e: {  	s14 =	rddreg [dreg:$0x5];
	vm0 =	vmand vm8, vm9;
	v4 =	vmul.f32 v16, v2;
	[tilespmem:s7+$0x0] =	vst.add.f32.msk $0xffff, v16  }
0x8f: {  	s15 =	rddreg [dreg:$0x6];
	[tilespmem:s14+$0x0] =	vst.add.f32.msk $0xffff, v3;
	v3 =	vsel vm0, $0x3F800000, v0  }
0x90: {  	s16 =	rddreg [dreg:$0x7];
	vm10 =	vgt.f32 v1, $2.000000030e-01;
	vm11 =	vle.f32 v1, $2.666666810e-01;
	[tilespmem:s15+$0x0] =	vst.add.f32.msk $0xffff, v4;
	v17 =	vmul.f32 v3, v1  }
0x91: {  	s17 =	rddreg [dreg:$0x8];
	vm0 =	vmand vm10, vm11;
	[tilespmem:s16+$0x0] =	vst.add.f32.msk $0xffff, v3;
	v3 =	vmul.f32 v3, v2  }
0x92: {  	s18 =	rddreg [dreg:$0x9];
	v18 =	vsel vm0, $0x3F800000, v0;
	[tilespmem:s17+$0x0] =	vst.add.f32.msk $0xffff, v17  }
0x93: {  	s19 =	rddreg [dreg:$0xa];
	vm12 =	vle.f32 v1, $3.333333430e-01;
	vm13 =	vgt.f32 v1, $2.666666810e-01;
	[tilespmem:s18+$0x0] =	vst.add.f32.msk $0xffff, v3;
	v3 =	vmul.f32 v18, v1  }
0x94: {  	s20 =	rddreg [dreg:$0xb];
	vm0 =	vmand vm13, vm12;
	v5 =	vmul.f32 v18, v2;
	[tilespmem:s19+$0x0] =	vst.add.f32.msk $0xffff, v18  }
0x95: {  	s21 =	rddreg [dreg:$0xc];
	[tilespmem:s20+$0x0] =	vst.add.f32.msk $0xffff, v3;
	v3 =	vsel vm0, $0x3F800000, v0  }
0x96: {  	s22 =	rddreg [dreg:$0xd];
	vm14 =	vle.f32 v1, $4.000000060e-01;
	vm15 =	vgt.f32 v1, $3.333333430e-01;
	[tilespmem:s21+$0x0] =	vst.add.f32.msk $0xffff, v5;
	v19 =	vmul.f32 v3, v1  }
0x97: {  	s23 =	rddreg [dreg:$0xe];
	vm0 =	vmand vm15, vm14;
	v20 =	vmul.f32 v3, v2;
	[tilespmem:s22+$0x0] =	vst.add.f32.msk $0xffff, v3  }
0x98: {  	s24 =	rddreg [dreg:$0xf];
	v3 =	vsel vm0, $0x3F800000, v0;
	[tilespmem:s23+$0x0] =	vst.add.f32.msk $0xffff, v19  }
0x99: {  	s25 =	rddreg [dreg:$0x10];
	vm4 =	vle.f32 v1, $4.666666690e-01;
	vm5 =	vgt.f32 v1, $4.000000060e-01;
	v21 =	vmul.f32 v3, v1;
	[tilespmem:s24+$0x0] =	vst.add.f32.msk $0xffff, v20  }
0x9a: {  	s26 =	rddreg [dreg:$0x11];
	vm0 =	vmand vm5, vm4;
	[tilespmem:s25+$0x0] =	vst.add.f32.msk $0xffff, v3;
	v3 =	vmul.f32 v3, v2  }
0x9b: {  	s28 =	rddreg [dreg:$0x12];
	v22 =	vsel vm0, $0x3F800000, v0;
	[tilespmem:s26+$0x0] =	vst.add.f32.msk $0xffff, v21  }
0x9c: {  	vm6 =	vle.f32 v1, $5.333333610e-01;
	vm7 =	vgt.f32 v1, $4.666666690e-01;
	v23 =	vmul.f32 v22, v1;
	[tilespmem:s28+$0x0] =	vst.add.f32.msk $0xffff, v3  }
0x9d: {  	vm0 =	vmand vm7, vm6;
	v3 =	vmul.f32 v22, v2;
	[tilespmem:s10+$0x0] =	vst.add.f32.msk $0xffff, v22  }
0x9e: {  	v24 =	vsel vm0, $0x3F800000, v0;
	[tilespmem:s11+$0x0] =	vst.add.f32.msk $0xffff, v23  }
0x9f: {  	s31 =	simm.s32 $0x780;
	vm8 =	vle.f32 v1, $6.000000240e-01;
	vm9 =	vgt.f32 v1, $5.333333610e-01;
	v25 =	vmul.f32 v24, v1;
	[tilespmem:s13+$0x0] =	vst.add.f32.msk $0xffff, v3  }
0xa0: {  	s14 =	simm.s32 $0xF00;
	vm0 =	vmand vm9, vm8;
	v3 =	vmul.f32 v24, v2;
	[tilespmem:s31+$0x0] =	vst.add.f32.msk $0xffff, v24  }
0xa1: {  	s15 =	simm.s32 $0x1680;
	v26 =	vsel vm0, $0x3F800000, v0;
	[tilespmem:s14+$0x0] =	vst.add.f32.msk $0xffff, v25  }
0xa2: {  	vm10 =	vgt.f32 v1, $6.000000240e-01;
	vm11 =	vle.f32 v1, $6.666666860e-01;
	s16 =	simm.s32 $0x800;
	v27 =	vmul.f32 v26, v1;
	[tilespmem:s15+$0x0] =	vst.add.f32.msk $0xffff, v3  }
0xa3: {  	s17 =	simm.s32 $0xF80;
	vm0 =	vmand vm10, vm11;
	v3 =	vmul.f32 v26, v2;
	[tilespmem:s16+$0x0] =	vst.add.f32.msk $0xffff, v26  }
0xa4: {  	s18 =	simm.s32 $0x1700;
	v28 =	vsel vm0, $0x3F800000, v0;
	[tilespmem:s17+$0x0] =	vst.add.f32.msk $0xffff, v27  }
0xa5: {  	vm12 =	vle.f32 v1, $7.333333490e-01;
	vm13 =	vgt.f32 v1, $6.666666860e-01;
	s19 =	simm.s32 $0x880;
	v29 =	vmul.f32 v28, v1;
	[tilespmem:s18+$0x0] =	vst.add.f32.msk $0xffff, v3  }
0xa6: {  	s20 =	simm.s32 $0x1000;
	vm0 =	vmand vm13, vm12;
	v3 =	vmul.f32 v28, v2;
	[tilespmem:s19+$0x0] =	vst.add.f32.msk $0xffff, v28  }
0xa7: {  	s21 =	simm.s32 $0x1780;
	v30 =	vsel vm0, $0x3F800000, v0;
	[tilespmem:s20+$0x0] =	vst.add.f32.msk $0xffff, v29  }
0xa8: {  	vm14 =	vle.f32 v1, $8.000000110e-01;
	vm15 =	vgt.f32 v1, $7.333333490e-01;
	s22 =	simm.s32 $0x900;
	v31 =	vmul.f32 v30, v1;
	[tilespmem:s21+$0x0] =	vst.add.f32.msk $0xffff, v3  }
0xa9: {  	s23 =	simm.s32 $0x1080;
	vm0 =	vmand vm15, vm14;
	v3 =	vmul.f32 v30, v2;
	[tilespmem:s22+$0x0] =	vst.add.f32.msk $0xffff, v30  }
0xaa: {  	s24 =	simm.s32 $0x1800;
	v32 =	vsel vm0, $0x3F800000, v0;
	[tilespmem:s23+$0x0] =	vst.add.f32.msk $0xffff, v31  }
0xab: {  	vm4 =	vgt.f32 v1, $8.000000110e-01;
	vm5 =	vle.f32 v1, $8.666666740e-01;
	s25 =	simm.s32 $0x980;
	v33 =	vmul.f32 v32, v1;
	[tilespmem:s24+$0x0] =	vst.add.f32.msk $0xffff, v3  }
0xac: {  	s26 =	simm.s32 $0x1100;
	vm0 =	vmand vm4, vm5;
	v3 =	vmul.f32 v32, v2;
	[tilespmem:s25+$0x0] =	vst.add.f32.msk $0xffff, v32  }
0xad: {  	s28 =	simm.s32 $0x1880;
	v34 =	vsel vm0, $0x3F800000, v0;
	[tilespmem:s26+$0x0] =	vst.add.f32.msk $0xffff, v33  }
0xae: {  	s29 =	simm.s32 $0xA00;
	vm6 =	vle.f32 v1, $9.333333370e-01;
	vm7 =	vgt.f32 v1, $8.666666740e-01;
	v35 =	vmul.f32 v34, v1;
	[tilespmem:s28+$0x0] =	vst.add.f32.msk $0xffff, v3  }
0xaf: {  	s30 =	simm.s32 $0x1180;
	vm0 =	vmand vm7, vm6;
	v3 =	vmul.f32 v34, v2;
	[tilespmem:s29+$0x0] =	vst.add.f32.msk $0xffff, v34  }
0xb0: {  	s9 =	simm.s32 $0x1900;
	v36 =	vsel vm0, $0x3F800000, v0;
	[tilespmem:s30+$0x0] =	vst.add.f32.msk $0xffff, v35  }
0xb1: {  	s0 =	simm.s32 $0xA80;
	vm8 =	vle.f32 v1, $1.000000000e+00;
	vm9 =	vgt.f32 v1, $9.333333370e-01;
	v37 =	vmul.f32 v36, v1;
	[tilespmem:s9+$0x0] =	vst.add.f32.msk $0xffff, v3  }
0xb2: {  	s1 =	simm.s32 $0x1200;
	vm0 =	vmand vm9, vm8;
	v3 =	vmul.f32 v36, v2;
	[tilespmem:s0+$0x0] =	vst.add.f32.msk $0xffff, v36  }
0xb3: {  	s8 =	simm.s32 $0x1980;
	v38 =	vsel vm0, $0x3F800000, v0;
	[tilespmem:s1+$0x0] =	vst.add.f32.msk $0xffff, v37  }
0xb4: {  	s3 =	simm.s32 $0xB00;
	v1 =	vmul.f32 v38, v1;
	[tilespmem:s8+$0x0] =	vst.add.f32.msk $0xffff, v3  }
0xb5: {  	s4 =	simm.s32 $0x1280;
	v2 =	vmul.f32 v38, v2;
	[tilespmem:s3+$0x0] =	vst.add.f32.msk $0xffff, v38  }
0xb6: {  	s5 =	simm.s32 $0x1A00;
	[tilespmem:s4+$0x0] =	vst.add.f32.msk $0xffff, v1  }
0xb7: {  	s2 =	sshra.s32 s2, $0x2;
	[tilespmem:s5+$0x0] =	vst.add.f32.msk $0xffff, v2  }
0xb8: {  	v2 =	vld [tilespmem:s2+$0x0];
	_ =	sdelay $0x3  }
0xb9: {  	v1 =	vld [tilespmem:s2+$0x200]  }
0xba: {  	vm10 =	vgt.f32 v2, $0.0e+00;
	vm11 =	vle.f32 v2, $6.666667010e-02  }
0xbb: {  	vm0 =	vmand vm10, vm11  }
0xbc: {  	v3 =	vsel vm0, $0x3F800000, v0  }
0xbd: {  	vm12 =	vgt.f32 v2, $6.666667010e-02;
	vm13 =	vle.f32 v2, $1.333333400e-01;
	v39 =	vmul.f32 v3, v2  }
0xbe: {  	s2 =	rddreg [dreg:$0x2];
	vm0 =	vmand vm12, vm13;
	[tilespmem:s12+$0x0] =	vst.add.f32.msk $0xffff, v3;
	v3 =	vmul.f32 v3, v1  }
0xbf: {  	s6 =	rddreg [dreg:$0x3];
	v40 =	vsel vm0, $0x3F800000, v0;
	[tilespmem:s2+$0x0] =	vst.add.f32.msk $0xffff, v39  }
0xc0: {  	s7 =	rddreg [dreg:$0x4];
	vm14 =	vgt.f32 v2, $1.333333400e-01;
	vm15 =	vle.f32 v2, $2.000000030e-01;
	[tilespmem:s6+$0x0] =	vst.add.f32.msk $0xffff, v3;
	v3 =	vmul.f32 v40, v2  }
0xc1: {  	vm0 =	vmand vm14, vm15;
	v4 =	vmul.f32 v40, v1;
	s2 =	rddreg [dreg:$0x5];
	[tilespmem:s7+$0x0] =	vst.add.f32.msk $0xffff, v40  }
0xc2: {  	s6 =	rddreg [dreg:$0x6];
	[tilespmem:s2+$0x0] =	vst.add.f32.msk $0xffff, v3;
	v3 =	vsel vm0, $0x3F800000, v0  }
0xc3: {  	vm4 =	vgt.f32 v2, $2.000000030e-01;
	vm5 =	vle.f32 v2, $2.666666810e-01;
	s7 =	rddreg [dreg:$0x7];
	[tilespmem:s6+$0x0] =	vst.add.f32.msk $0xffff, v4;
	v41 =	vmul.f32 v3, v2  }
0xc4: {  	s2 =	rddreg [dreg:$0x8];
	vm0 =	vmand vm4, vm5;
	[tilespmem:s7+$0x0] =	vst.add.f32.msk $0xffff, v3;
	v3 =	vmul.f32 v3, v1  }
0xc5: {  	s6 =	rddreg [dreg:$0x9];
	v42 =	vsel vm0, $0x3F800000, v0;
	[tilespmem:s2+$0x0] =	vst.add.f32.msk $0xffff, v41  }
0xc6: {  	vm6 =	vle.f32 v2, $3.333333430e-01;
	vm7 =	vgt.f32 v2, $2.666666810e-01;
	s7 =	rddreg [dreg:$0xa];
	[tilespmem:s6+$0x0] =	vst.add.f32.msk $0xffff, v3;
	v3 =	vmul.f32 v42, v2  }
0xc7: {  	vm0 =	vmand vm7, vm6;
	v43 =	vmul.f32 v42, v1;
	s2 =	rddreg [dreg:$0xb];
	[tilespmem:s7+$0x0] =	vst.add.f32.msk $0xffff, v42  }
0xc8: {  	s6 =	rddreg [dreg:$0xc];
	[tilespmem:s2+$0x0] =	vst.add.f32.msk $0xffff, v3;
	v3 =	vsel vm0, $0x3F800000, v0  }
0xc9: {  	vm8 =	vle.f32 v2, $4.000000060e-01;
	vm9 =	vgt.f32 v2, $3.333333430e-01;
	s7 =	rddreg [dreg:$0xd];
	[tilespmem:s6+$0x0] =	vst.add.f32.msk $0xffff, v43;
	v44 =	vmul.f32 v3, v2  }
0xca: {  	s2 =	rddreg [dreg:$0xe];
	vm0 =	vmand vm9, vm8;
	v45 =	vmul.f32 v3, v1;
	[tilespmem:s7+$0x0] =	vst.add.f32.msk $0xffff, v3  }
0xcb: {  	s6 =	rddreg [dreg:$0xf];
	v3 =	vsel vm0, $0x3F800000, v0;
	[tilespmem:s2+$0x0] =	vst.add.f32.msk $0xffff, v44  }
0xcc: {  	vm10 =	vle.f32 v2, $4.666666690e-01;
	vm11 =	vgt.f32 v2, $4.000000060e-01;
	s7 =	rddreg [dreg:$0x10];
	v46 =	vmul.f32 v3, v2;
	[tilespmem:s6+$0x0] =	vst.add.f32.msk $0xffff, v45  }
0xcd: {  	vm0 =	vmand vm11, vm10;
	s2 =	rddreg [dreg:$0x11];
	[tilespmem:s7+$0x0] =	vst.add.f32.msk $0xffff, v3;
	v3 =	vmul.f32 v3, v1  }
0xce: {  	v47 =	vsel vm0, $0x3F800000, v0;
	s6 =	rddreg [dreg:$0x12];
	[tilespmem:s2+$0x0] =	vst.add.f32.msk $0xffff, v46  }
0xcf: {  	vm12 =	vle.f32 v2, $5.333333610e-01;
	vm13 =	vgt.f32 v2, $4.666666690e-01;
	[tilespmem:s6+$0x0] =	vst.add.f32.msk $0xffff, v3;
	v3 =	vmul.f32 v47, v2  }
0xd0: {  	vm0 =	vmand vm13, vm12;
	v48 =	vmul.f32 v47, v1;
	[tilespmem:s10+$0x0] =	vst.add.f32.msk $0xffff, v47  }
0xd1: {  	v49 =	vsel vm0, $0x3F800000, v0;
	[tilespmem:s11+$0x0] =	vst.add.f32.msk $0xffff, v3  }
0xd2: {  	vm14 =	vle.f32 v2, $6.000000240e-01;
	vm15 =	vgt.f32 v2, $5.333333610e-01;
	v3 =	vmul.f32 v49, v2;
	[tilespmem:s13+$0x0] =	vst.add.f32.msk $0xffff, v48  }
0xd3: {  	vm0 =	vmand vm15, vm14;
	v50 =	vmul.f32 v49, v1;
	[tilespmem:s31+$0x0] =	vst.add.f32.msk $0xffff, v49  }
0xd4: {  	v51 =	vsel vm0, $0x3F800000, v0;
	[tilespmem:s14+$0x0] =	vst.add.f32.msk $0xffff, v3  }
0xd5: {  	vm4 =	vgt.f32 v2, $6.000000240e-01;
	vm5 =	vle.f32 v2, $6.666666860e-01;
	v3 =	vmul.f32 v51, v2;
	[tilespmem:s15+$0x0] =	vst.add.f32.msk $0xffff, v50  }
0xd6: {  	vm0 =	vmand vm4, vm5;
	v52 =	vmul.f32 v51, v1;
	[tilespmem:s16+$0x0] =	vst.add.f32.msk $0xffff, v51  }
0xd7: {  	v53 =	vsel vm0, $0x3F800000, v0;
	[tilespmem:s17+$0x0] =	vst.add.f32.msk $0xffff, v3  }
0xd8: {  	vm6 =	vle.f32 v2, $7.333333490e-01;
	vm7 =	vgt.f32 v2, $6.666666860e-01;
	v3 =	vmul.f32 v53, v2;
	[tilespmem:s18+$0x0] =	vst.add.f32.msk $0xffff, v52  }
0xd9: {  	vm0 =	vmand vm7, vm6;
	v54 =	vmul.f32 v53, v1;
	[tilespmem:s19+$0x0] =	vst.add.f32.msk $0xffff, v53  }
0xda: {  	v55 =	vsel vm0, $0x3F800000, v0;
	[tilespmem:s20+$0x0] =	vst.add.f32.msk $0xffff, v3  }
0xdb: {  	vm8 =	vle.f32 v2, $8.000000110e-01;
	vm9 =	vgt.f32 v2, $7.333333490e-01;
	v3 =	vmul.f32 v55, v2;
	[tilespmem:s21+$0x0] =	vst.add.f32.msk $0xffff, v54  }
0xdc: {  	vm0 =	vmand vm9, vm8;
	v56 =	vmul.f32 v55, v1;
	[tilespmem:s22+$0x0] =	vst.add.f32.msk $0xffff, v55  }
0xdd: {  	v57 =	vsel vm0, $0x3F800000, v0;
	[tilespmem:s23+$0x0] =	vst.add.f32.msk $0xffff, v3  }
0xde: {  	vm10 =	vgt.f32 v2, $8.000000110e-01;
	vm11 =	vle.f32 v2, $8.666666740e-01;
	v3 =	vmul.f32 v57, v2;
	[tilespmem:s24+$0x0] =	vst.add.f32.msk $0xffff, v56  }
0xdf: {  	vm0 =	vmand vm10, vm11;
	v58 =	vmul.f32 v57, v1;
	[tilespmem:s25+$0x0] =	vst.add.f32.msk $0xffff, v57  }
0xe0: {  	v59 =	vsel vm0, $0x3F800000, v0;
	[tilespmem:s26+$0x0] =	vst.add.f32.msk $0xffff, v3  }
0xe1: {  	vm12 =	vle.f32 v2, $9.333333370e-01;
	vm13 =	vgt.f32 v2, $8.666666740e-01;
	v3 =	vmul.f32 v59, v2;
	[tilespmem:s28+$0x0] =	vst.add.f32.msk $0xffff, v58  }
0xe2: {  	vm0 =	vmand vm13, vm12;
	v60 =	vmul.f32 v59, v1;
	[tilespmem:s29+$0x0] =	vst.add.f32.msk $0xffff, v59  }
0xe3: {  	v61 =	vsel vm0, $0x3F800000, v0;
	[tilespmem:s30+$0x0] =	vst.add.f32.msk $0xffff, v3  }
0xe4: {  	vm14 =	vle.f32 v2, $1.000000000e+00;
	vm15 =	vgt.f32 v2, $9.333333370e-01;
	v3 =	vmul.f32 v61, v2;
	[tilespmem:s9+$0x0] =	vst.add.f32.msk $0xffff, v60  }
0xe5: {  	vm0 =	vmand vm15, vm14;
	v62 =	vmul.f32 v61, v1;
	[tilespmem:s0+$0x0] =	vst.add.f32.msk $0xffff, v61  }
0xe6: {  	v63 =	vsel vm0, $0x3F800000, v0;
	[tilespmem:s1+$0x0] =	vst.add.f32.msk $0xffff, v3  }
0xe7: {  	v2 =	vmul.f32 v63, v2;
	[tilespmem:s8+$0x0] =	vst.add.f32.msk $0xffff, v62  }
0xe8: {  	v1 =	vmul.f32 v63, v1;
	[tilespmem:s3+$0x0] =	vst.add.f32.msk $0xffff, v63  }
0xe9: {  	[tilespmem:s4+$0x0] =	vst.add.f32.msk $0xffff, v2  }
0xea: {  	s7 =	simm.s32 $0x1;
	s6 =	simm.s32 $0x0;
	s29 =	rddreg [dreg:$0x15];
	[tilespmem:s5+$0x0] =	vst.add.f32.msk $0xffff, v1  }
0xeb: {  	[hbm4b:s29+s6] =	stream.linear.scatter [tilespmem:s12], [sflag:$0x1], $0x1680, $0x38;
	[tilespmem:$0x1C00] =	vst v63  }
0xec: {  	_ =	swait.ge [sflag:s7], $0x1680  }
0xed: {  	s30 =	rddreg [dreg:$0x17]  }
0xee: {  	s31 =	rddreg [dreg:$0x16];
	s0 =	sadd.s32 $0x1, s30  }
0xef: {  	p0 =	sne.s32 s0, s31  }
.Ltmp1:
0xf0: {  	_ = 	snop;
	(pc) =	sbr.rel @p0 .LBB2_1-.Ltmp1, $3  }
0xf1: {  	_ =	sdelay $0x1  }
0xf2: {  	[sflag:s7] =	ssyncset.done $0x0  }
0xf3: {  	[sflag:s7] =	ssyncadd.s32 $0xFFFFE980  }
0xf4: {  	_ =	sfence.sel $0x180000  }
0xf5: {  	[bflag:$0x0] =	sbarrier.arrive $0xFFFF  }
0xf6: {  	_ =	strace $0x90000047  }
0xf7: {  	s0 =	stileid.u32;
	[bflag:$0x2] =	sbarrier.arrive $0xFFFF  }
0xf8: {  	p0 =	sne.s32 s0, $0x0;
	s0 =	rddreg [dreg:$0x1]  }
0xf9: {  	s0 =	sadd.s32 @!p0 $0x100000, s0  }
0xfa: {  	[sflag:s0] =	ssyncadd.tile.s32 @!p0 $0x1;
	_ =	shalt  }
.Lfunc_end2:
_tile_overlayer_lowered:
.L_overlay_start_2:
0xfb: {  	(tag) =	ssettag $0x2  }
0xfc: {  	s0 =	rddreg [dreg:$0x0];
	s2 =	stileid.u32  }
0xfd: {  	s1 =	rddreg [dreg:$0x1];
	p0 =	sne.s32 s2, $0x0  }
0xfe: {  	s3 =	rddreg [dreg:$0x2];
	[bflag:$0x3] =	sbarrier.arrive $0xFFFF;
	s2 =	simm.s32 @!p0 $0x1C01  }
0xff: {  	[timem:s3], [sflag:s2] =	dma.local @!p0 [hbm:s0], s1  }
0x100: {  	s0 =	simm.s32 @!p0 $0x1  }
0x101: {  	_ =	swait.ge @!p0 [sflag:s0], s1  }
0x102: {  	s1 =	ssub.s32 @!p0 $0x0, s1;
	[sflag:s0] =	ssyncset.done @!p0 $0x0  }
0x103: {  	[sflag:s0] =	ssyncadd.s32 @!p0 s1  }
0x104: {  	[bflag:$0x3] =	sbarrier.arrive $0xFFFF  }
0x105: {  	_ =	shalt  }

</sc_bundles>
